<compile_context>
chip_gen: v7x
topology: tpu7x:2x2x1
jax: 0.10.2.dev20260603
libtpu: 0.0.44.dev20260713+nightly
codegen_flags: <defaults>
</compile_context>

<pallas_src>
import jax
import jax.numpy as jnp
from jax import lax
from jax.experimental import pallas as pl
from jax.experimental.pallas import tpu as pltpu
from jax.experimental.pallas import tpu_sc as plsc

BATCH = 16384
NROWS = 1000001
DIM = 32
NW = 32
BPW = BATCH // NW
CHUNK = 128
NCHUNK = BPW // CHUNK
GROUPS = BPW // 16


def _sc_body(user_hbm, item_hbm, uemb_hbm, iemb_hbm, ubias_hbm, ibias_hbm,
             logits_hbm, reg_hbm,
             idx_u, idx_i, rows_u, rows_i, bias_u, bias_i, logits_v, sq_v,
             sem):
    wid = lax.axis_index("s") * 2 + lax.axis_index("c")
    base = wid * BPW

    pltpu.sync_copy(user_hbm.at[wid], idx_u)
    pltpu.sync_copy(item_hbm.at[wid], idx_i)
    copies = []
    for j in range(NCHUNK):
        sl = pl.ds(j * CHUNK, CHUNK)
        copies.append(pltpu.async_copy(uemb_hbm.at[idx_u.at[j]], rows_u.at[sl], sem))
        copies.append(pltpu.async_copy(iemb_hbm.at[idx_i.at[j]], rows_i.at[sl], sem))
        copies.append(pltpu.async_copy(ubias_hbm.at[idx_u.at[j]], bias_u.at[sl], sem))
        copies.append(pltpu.async_copy(ibias_hbm.at[idx_i.at[j]], bias_i.at[sl], sem))
    for c in copies:
        c.wait()

    lane = lax.iota(jnp.int32, 16)

    def group(g, sq_acc):
        rowi = g * 16 + lane
        dot = jnp.zeros((16,), jnp.float32)
        for d in range(DIM):
            cd = jnp.full((16,), d, jnp.int32)
            u = plsc.load_gather(rows_u, [rowi, cd])
            v = plsc.load_gather(rows_i, [rowi, cd])
            dot = dot + u * v
            sq_acc = sq_acc + u * u + v * v
        ub = plsc.load_gather(bias_u, [rowi])
        ib = plsc.load_gather(bias_i, [rowi])
        logits_v[pl.ds(g * 16, 16)] = dot + ub + ib
        return sq_acc

    sq = lax.fori_loop(0, GROUPS, group, jnp.zeros((16,), jnp.float32))
    sq_v[...] = sq
    pltpu.sync_copy(logits_v, logits_hbm.at[pl.ds(base, BPW)])
    pltpu.sync_copy(sq_v, reg_hbm.at[wid])


_sc_call = pl.kernel(
    _sc_body,
    out_type=[
        jax.ShapeDtypeStruct((BATCH,), jnp.float32),
        jax.ShapeDtypeStruct((NW, 16), jnp.float32),
    ],
    mesh=plsc.VectorSubcoreMesh(core_axis_name="c", subcore_axis_name="s"),
    compiler_params=pltpu.CompilerParams(needs_layout_passes=False,
                                         use_tc_tiling_on_sc=False),
    scratch_types=[
        pltpu.VMEM((NCHUNK, CHUNK), jnp.int32),
        pltpu.VMEM((NCHUNK, CHUNK), jnp.int32),
        pltpu.VMEM((BPW, DIM), jnp.float32),
        pltpu.VMEM((BPW, DIM), jnp.float32),
        pltpu.VMEM((BPW,), jnp.float32),
        pltpu.VMEM((BPW,), jnp.float32),
        pltpu.VMEM((BPW,), jnp.float32),
        pltpu.VMEM((16,), jnp.float32),
        pltpu.SemaphoreType.DMA,
    ],
)


def _tc_body(logits_ref, ratings_ref, reg_ref, pre_ref, loss_ref, regloss_ref):
    pre = jax.nn.sigmoid(logits_ref[...])
    pre_ref[...] = pre
    err = pre - ratings_ref[...]
    loss_ref[0, 0] = jnp.sum(err * err) / float(BATCH)
    regloss_ref[0, 0] = 0.5 * jnp.sum(reg_ref[...]) / float(BATCH)


_tc_call = pl.pallas_call(
    _tc_body,
    out_shape=[
        jax.ShapeDtypeStruct((128, 128), jnp.float32),
        jax.ShapeDtypeStruct((1, 1), jnp.float32),
        jax.ShapeDtypeStruct((1, 1), jnp.float32),
    ],
    out_specs=[
        pl.BlockSpec(memory_space=pltpu.VMEM),
        pl.BlockSpec(memory_space=pltpu.SMEM),
        pl.BlockSpec(memory_space=pltpu.SMEM),
    ],
)


def kernel(user, item, ratings, user_emb_table, item_emb_table,
           user_bias_table, item_bias_table):
    user_r = user.astype(jnp.int32).reshape(NW, NCHUNK, CHUNK)
    item_r = item.astype(jnp.int32).reshape(NW, NCHUNK, CHUNK)
    ub1 = user_bias_table.sum(axis=1)
    ib1 = item_bias_table.sum(axis=1)
    logits, regpart = _sc_call(user_r, item_r, user_emb_table, item_emb_table,
                               ub1, ib1)
    pre2d, loss, regloss = _tc_call(logits.reshape(128, 128),
                                    ratings.reshape(128, 128),
                                    regpart.reshape(4, 128))
    return (loss[0, 0], regloss[0, 0], pre2d.reshape(BATCH))

# --- scband reference (transcript-rebuilt; emitter-appended) ---
"""Pipeline reference for scband-mf-rate-t-22900765623061 (READ-ONLY COPY).

The authoritative reference and input builder live on the scoring server;
editing this copy changes nothing except your own understanding.
"""

import jax, jax.numpy as jnp
import numpy as np

N_USERS = 1000000
N_ITEMS = 1000000
LATENT_DIM = 32
BATCH = 16384


def setup_inputs(seed: int = 0) -> dict:
    key = jax.random.key(seed)
    ks = jax.random.split(key, 7)
    user = jax.random.randint(ks[0], (BATCH,), 0, N_USERS)
    item = jax.random.randint(ks[1], (BATCH,), 0, N_ITEMS)
    ratings = jax.random.uniform(ks[2], (BATCH,), dtype=jnp.float32)
    user_emb_table = jax.random.normal(ks[3], (N_USERS + 1, LATENT_DIM), dtype=jnp.float32) * 0.01
    item_emb_table = jax.random.normal(ks[4], (N_ITEMS + 1, LATENT_DIM), dtype=jnp.float32) * 0.01
    user_bias_table = jax.random.normal(ks[5], (N_USERS + 1, 1), dtype=jnp.float32) * 0.01
    item_bias_table = jax.random.normal(ks[6], (N_ITEMS + 1, 1), dtype=jnp.float32) * 0.01
    return {
        'user': user,
        'item': item,
        'ratings': ratings,
        'user_emb_table': user_emb_table,
        'item_emb_table': item_emb_table,
        'user_bias_table': user_bias_table,
        'item_bias_table': item_bias_table,
    }


def reference(user, item, ratings, user_emb_table, item_emb_table, user_bias_table, item_bias_table):
    # embedding lookups (SparseCore gathers)
    user_emb = jnp.take(user_emb_table, user, axis=0)            # [B, D]
    item_emb = jnp.take(item_emb_table, item, axis=0)            # [B, D]
    user_bias = jnp.take(user_bias_table, user, axis=0)          # [B, 1]
    item_bias = jnp.take(item_bias_table, item, axis=0)          # [B, 1]

    pre_ratings = jnp.squeeze(jnp.sum(user_emb * item_emb, axis=1))
    pre_ratings = pre_ratings + jnp.squeeze(user_bias, axis=-1) + jnp.squeeze(item_bias, axis=-1)
    pre_ratings = jax.nn.sigmoid(pre_ratings)

    reg_loss = 0.5 * (jnp.sum(user_emb ** 2) + jnp.sum(item_emb ** 2)) / float(user.shape[0])
    loss = jnp.mean((pre_ratings - ratings) ** 2)
    return (loss, reg_loss, pre_ratings)

if __name__ == "__main__":
    import jax
    _d = setup_inputs()
    print(jax.jit(kernel)(*tuple(_d.values())))

</pallas_src>

<mosaic_0001>
#map = affine_map<(d0, d1) -> (0, 0, 0)>
#map1 = affine_map<(d0, d1) -> (0, 0)>
#map2 = affine_map<(d0, d1) -> (0)>
module attributes {stable_mosaic.version = 14 : i64} {
  func.func @_sc_body(%arg0: i32, %arg1: i32, %arg2: memref<32x4x128xi32, #tpu.memory_space<hbm>>, %arg3: memref<32x4x128xi32, #tpu.memory_space<hbm>>, %arg4: memref<1000001x32xf32, #tpu.memory_space<hbm>>, %arg5: memref<1000001x32xf32, #tpu.memory_space<hbm>>, %arg6: memref<1000001xf32, #tpu.memory_space<hbm>>, %arg7: memref<1000001xf32, #tpu.memory_space<hbm>>, %arg8: memref<16384xf32, #tpu.memory_space<hbm>>, %arg9: memref<32x16xf32, #tpu.memory_space<hbm>>, %arg10: memref<4x128xi32, #tpu.memory_space<vmem>>, %arg11: memref<4x128xi32, #tpu.memory_space<vmem>>, %arg12: memref<512x32xf32, #tpu.memory_space<vmem>>, %arg13: memref<512x32xf32, #tpu.memory_space<vmem>>, %arg14: memref<512xf32, #tpu.memory_space<vmem>>, %arg15: memref<512xf32, #tpu.memory_space<vmem>>, %arg16: memref<512xf32, #tpu.memory_space<vmem>>, %arg17: memref<16xf32, #tpu.memory_space<vmem>>, %arg18: memref<!tpu.dma_semaphore, #tpu.memory_space<semaphore_mem>>) attributes {dimension_semantics = [#tpu.dimension_semantics<core_parallel>, #tpu.dimension_semantics<subcore_parallel>], iteration_bounds = array<i64: 2, 16>, scalar_prefetch = 0 : i64, scratch_operands = 9 : i64, tpu.core_type = #tpu.core_type<sc_vector_subcore>, window_params = [{transform_indices = #map}, {transform_indices = #map}, {transform_indices = #map1}, {transform_indices = #map1}, {transform_indices = #map2}, {transform_indices = #map2}, {transform_indices = #map2}, {transform_indices = #map1}]} {
    %mul3A = arith.constant 2 : i32
    %mul3A_0 = arith.muli %arg1, %mul3A : i32
    %add3A = arith.addi %mul3A_0, %arg0 : i32
    %mul3A_1 = arith.constant 512 : i32
    %mul3A_2 = arith.muli %add3A, %mul3A_1 : i32
    "tpu.region"() ({
      %run_scoped3A = tpu.sem_alloc : memref<!tpu.dma_semaphore, #tpu.memory_space<semaphore_mem>>
      %dma_start3A_296 = arith.constant 0 : i32
      %dma_start3A_297 = arith.constant 0 : i32
      %dma_start3A_298 = tpu.memref_slice %arg2[%add3A, %dma_start3A_296, %dma_start3A_297] : memref<32x4x128xi32, #tpu.memory_space<hbm>> -> memref<1x4x128xi32, #tpu.memory_space<hbm>>
      %dma_start3A_299 = tpu.memref_squeeze %dma_start3A_298 : memref<1x4x128xi32, #tpu.memory_space<hbm>> -> memref<4x128xi32, #tpu.memory_space<hbm>>
      %dma_start3A_300 = arith.constant 0 : i32
      %dma_start3A_301 = arith.constant 0 : i32
      %dma_start3A_302 = tpu.memref_slice %arg2[%add3A, %dma_start3A_300, %dma_start3A_301] : memref<32x4x128xi32, #tpu.memory_space<hbm>> -> memref<1x4x128xi32, #tpu.memory_space<hbm>>
      %dma_start3A_303 = tpu.memref_squeeze %dma_start3A_302 : memref<1x4x128xi32, #tpu.memory_space<hbm>> -> memref<4x128xi32, #tpu.memory_space<hbm>>
      tpu.enqueue_dma source(%dma_start3A_303 : memref<4x128xi32, #tpu.memory_space<hbm>>) target(%arg10 : memref<4x128xi32, #tpu.memory_space<vmem>>) target_semaphore(%run_scoped3A : memref<!tpu.dma_semaphore, #tpu.memory_space<semaphore_mem>>)
      %dma_wait3A_304 = arith.constant 0 : i32
      %dma_wait3A_305 = arith.constant 0 : i32
      %dma_wait3A_306 = tpu.memref_slice %arg2[%add3A, %dma_wait3A_304, %dma_wait3A_305] : memref<32x4x128xi32, #tpu.memory_space<hbm>> -> memref<1x4x128xi32, #tpu.memory_space<hbm>>
      %dma_wait3A_307 = tpu.memref_squeeze %dma_wait3A_306 : memref<1x4x128xi32, #tpu.memory_space<hbm>> -> memref<4x128xi32, #tpu.memory_space<hbm>>
      %dma_wait3A_308 = arith.constant 0 : i32
      %dma_wait3A_309 = arith.constant 0 : i32
      %dma_wait3A_310 = tpu.memref_slice %arg2[%add3A, %dma_wait3A_308, %dma_wait3A_309] : memref<32x4x128xi32, #tpu.memory_space<hbm>> -> memref<1x4x128xi32, #tpu.memory_space<hbm>>
      %dma_wait3A_311 = tpu.memref_squeeze %dma_wait3A_310 : memref<1x4x128xi32, #tpu.memory_space<hbm>> -> memref<4x128xi32, #tpu.memory_space<hbm>>
      tpu.wait_dma2 semaphore(%run_scoped3A : memref<!tpu.dma_semaphore, #tpu.memory_space<semaphore_mem>>) src(%dma_wait3A_311 : memref<4x128xi32, #tpu.memory_space<hbm>>) dst(%arg10 : memref<4x128xi32, #tpu.memory_space<vmem>>)
      tpu.yield
    }) : () -> ()
    "tpu.region"() ({
      %run_scoped3A = tpu.sem_alloc : memref<!tpu.dma_semaphore, #tpu.memory_space<semaphore_mem>>
      %dma_start3A_296 = arith.constant 0 : i32
      %dma_start3A_297 = arith.constant 0 : i32
      %dma_start3A_298 = tpu.memref_slice %arg3[%add3A, %dma_start3A_296, %dma_start3A_297] : memref<32x4x128xi32, #tpu.memory_space<hbm>> -> memref<1x4x128xi32, #tpu.memory_space<hbm>>
      %dma_start3A_299 = tpu.memref_squeeze %dma_start3A_298 : memref<1x4x128xi32, #tpu.memory_space<hbm>> -> memref<4x128xi32, #tpu.memory_space<hbm>>
      %dma_start3A_300 = arith.constant 0 : i32
      %dma_start3A_301 = arith.constant 0 : i32
      %dma_start3A_302 = tpu.memref_slice %arg3[%add3A, %dma_start3A_300, %dma_start3A_301] : memref<32x4x128xi32, #tpu.memory_space<hbm>> -> memref<1x4x128xi32, #tpu.memory_space<hbm>>
      %dma_start3A_303 = tpu.memref_squeeze %dma_start3A_302 : memref<1x4x128xi32, #tpu.memory_space<hbm>> -> memref<4x128xi32, #tpu.memory_space<hbm>>
      tpu.enqueue_dma source(%dma_start3A_303 : memref<4x128xi32, #tpu.memory_space<hbm>>) target(%arg11 : memref<4x128xi32, #tpu.memory_space<vmem>>) target_semaphore(%run_scoped3A : memref<!tpu.dma_semaphore, #tpu.memory_space<semaphore_mem>>)
      %dma_wait3A_304 = arith.constant 0 : i32
      %dma_wait3A_305 = arith.constant 0 : i32
      %dma_wait3A_306 = tpu.memref_slice %arg3[%add3A, %dma_wait3A_304, %dma_wait3A_305] : memref<32x4x128xi32, #tpu.memory_space<hbm>> -> memref<1x4x128xi32, #tpu.memory_space<hbm>>
      %dma_wait3A_307 = tpu.memref_squeeze %dma_wait3A_306 : memref<1x4x128xi32, #tpu.memory_space<hbm>> -> memref<4x128xi32, #tpu.memory_space<hbm>>
      %dma_wait3A_308 = arith.constant 0 : i32
      %dma_wait3A_309 = arith.constant 0 : i32
      %dma_wait3A_310 = tpu.memref_slice %arg3[%add3A, %dma_wait3A_308, %dma_wait3A_309] : memref<32x4x128xi32, #tpu.memory_space<hbm>> -> memref<1x4x128xi32, #tpu.memory_space<hbm>>
      %dma_wait3A_311 = tpu.memref_squeeze %dma_wait3A_310 : memref<1x4x128xi32, #tpu.memory_space<hbm>> -> memref<4x128xi32, #tpu.memory_space<hbm>>
      tpu.wait_dma2 semaphore(%run_scoped3A : memref<!tpu.dma_semaphore, #tpu.memory_space<semaphore_mem>>) src(%dma_wait3A_311 : memref<4x128xi32, #tpu.memory_space<hbm>>) dst(%arg11 : memref<4x128xi32, #tpu.memory_space<vmem>>)
      tpu.yield
    }) : () -> ()
    %dma_start3A = arith.constant 0 : i32
    %dma_start3A_3 = arith.constant 0 : i32
    %dma_start3A_4 = arith.constant 0 : i32
    %dma_start3A_5 = tpu.memref_slice %arg12[%dma_start3A_3, %dma_start3A_4] : memref<512x32xf32, #tpu.memory_space<vmem>> -> memref<128x32xf32, #tpu.memory_space<vmem>>
    %dma_start3A_6 = arith.constant 0 : i32
    %dma_start3A_7 = tpu.memref_slice %arg10[%dma_start3A, %dma_start3A_6] : memref<4x128xi32, #tpu.memory_space<vmem>> -> memref<1x128xi32, #tpu.memory_space<vmem>>
    %dma_start3A_8 = tpu.memref_squeeze %dma_start3A_7 : memref<1x128xi32, #tpu.memory_space<vmem>> -> memref<128xi32, #tpu.memory_space<vmem>>
    %dma_start3A_9 = arith.constant 0 : i32
    %dma_start3A_10 = arith.constant 0 : i32
    %dma_start3A_11 = tpu.memref_slice %arg4[%dma_start3A_9, %dma_start3A_10] : memref<1000001x32xf32, #tpu.memory_space<hbm>> -> memref<1000001x32xf32, #tpu.memory_space<hbm>>
    tpu.enqueue_indirect_dma source(%dma_start3A_11 : memref<1000001x32xf32, #tpu.memory_space<hbm>>) target(%dma_start3A_5 : memref<128x32xf32, #tpu.memory_space<vmem>>) offsets(%dma_start3A_8 : memref<128xi32, #tpu.memory_space<vmem>>) semaphore(%arg18 : memref<!tpu.dma_semaphore, #tpu.memory_space<semaphore_mem>>)
    %dma_start3A_12 = arith.constant 0 : i32
    %dma_start3A_13 = arith.constant 0 : i32
    %dma_start3A_14 = arith.constant 0 : i32
    %dma_start3A_15 = tpu.memref_slice %arg13[%dma_start3A_13, %dma_start3A_14] : memref<512x32xf32, #tpu.memory_space<vmem>> -> memref<128x32xf32, #tpu.memory_space<vmem>>
    %dma_start3A_16 = arith.constant 0 : i32
    %dma_start3A_17 = tpu.memref_slice %arg11[%dma_start3A_12, %dma_start3A_16] : memref<4x128xi32, #tpu.memory_space<vmem>> -> memref<1x128xi32, #tpu.memory_space<vmem>>
    %dma_start3A_18 = tpu.memref_squeeze %dma_start3A_17 : memref<1x128xi32, #tpu.memory_space<vmem>> -> memref<128xi32, #tpu.memory_space<vmem>>
    %dma_start3A_19 = arith.constant 0 : i32
    %dma_start3A_20 = arith.constant 0 : i32
    %dma_start3A_21 = tpu.memref_slice %arg5[%dma_start3A_19, %dma_start3A_20] : memref<1000001x32xf32, #tpu.memory_space<hbm>> -> memref<1000001x32xf32, #tpu.memory_space<hbm>>
    tpu.enqueue_indirect_dma source(%dma_start3A_21 : memref<1000001x32xf32, #tpu.memory_space<hbm>>) target(%dma_start3A_15 : memref<128x32xf32, #tpu.memory_space<vmem>>) offsets(%dma_start3A_18 : memref<128xi32, #tpu.memory_space<vmem>>) semaphore(%arg18 : memref<!tpu.dma_semaphore, #tpu.memory_space<semaphore_mem>>)
    %dma_start3A_22 = arith.constant 0 : i32
    %dma_start3A_23 = arith.constant 0 : i32
    %dma_start3A_24 = tpu.memref_slice %arg14[%dma_start3A_23] : memref<512xf32, #tpu.memory_space<vmem>> -> memref<128xf32, #tpu.memory_space<vmem>>
    %dma_start3A_25 = arith.constant 0 : i32
    %dma_start3A_26 = tpu.memref_slice %arg10[%dma_start3A_22, %dma_start3A_25] : memref<4x128xi32, #tpu.memory_space<vmem>> -> memref<1x128xi32, #tpu.memory_space<vmem>>
    %dma_start3A_27 = tpu.memref_squeeze %dma_start3A_26 : memref<1x128xi32, #tpu.memory_space<vmem>> -> memref<128xi32, #tpu.memory_space<vmem>>
    %dma_start3A_28 = arith.constant 0 : i32
    %dma_start3A_29 = tpu.memref_slice %arg6[%dma_start3A_28] : memref<1000001xf32, #tpu.memory_space<hbm>> -> memref<1000001xf32, #tpu.memory_space<hbm>>
    tpu.enqueue_indirect_dma source(%dma_start3A_29 : memref<1000001xf32, #tpu.memory_space<hbm>>) target(%dma_start3A_24 : memref<128xf32, #tpu.memory_space<vmem>>) offsets(%dma_start3A_27 : memref<128xi32, #tpu.memory_space<vmem>>) semaphore(%arg18 : memref<!tpu.dma_semaphore, #tpu.memory_space<semaphore_mem>>)
    %dma_start3A_30 = arith.constant 0 : i32
    %dma_start3A_31 = arith.constant 0 : i32
    %dma_start3A_32 = tpu.memref_slice %arg15[%dma_start3A_31] : memref<512xf32, #tpu.memory_space<vmem>> -> memref<128xf32, #tpu.memory_space<vmem>>
    %dma_start3A_33 = arith.constant 0 : i32
    %dma_start3A_34 = tpu.memref_slice %arg11[%dma_start3A_30, %dma_start3A_33] : memref<4x128xi32, #tpu.memory_space<vmem>> -> memref<1x128xi32, #tpu.memory_space<vmem>>
    %dma_start3A_35 = tpu.memref_squeeze %dma_start3A_34 : memref<1x128xi32, #tpu.memory_space<vmem>> -> memref<128xi32, #tpu.memory_space<vmem>>
    %dma_start3A_36 = arith.constant 0 : i32
    %dma_start3A_37 = tpu.memref_slice %arg7[%dma_start3A_36] : memref<1000001xf32, #tpu.memory_space<hbm>> -> memref<1000001xf32, #tpu.memory_space<hbm>>
    tpu.enqueue_indirect_dma source(%dma_start3A_37 : memref<1000001xf32, #tpu.memory_space<hbm>>) target(%dma_start3A_32 : memref<128xf32, #tpu.memory_space<vmem>>) offsets(%dma_start3A_35 : memref<128xi32, #tpu.memory_space<vmem>>) semaphore(%arg18 : memref<!tpu.dma_semaphore, #tpu.memory_space<semaphore_mem>>)
    %dma_start3A_38 = arith.constant 1 : i32
    %dma_start3A_39 = arith.constant 128 : i32
    %dma_start3A_40 = arith.constant 0 : i32
    %dma_start3A_41 = tpu.memref_slice %arg12[%dma_start3A_39, %dma_start3A_40] : memref<512x32xf32, #tpu.memory_space<vmem>> -> memref<128x32xf32, #tpu.memory_space<vmem>>
    %dma_start3A_42 = arith.constant 0 : i32
    %dma_start3A_43 = tpu.memref_slice %arg10[%dma_start3A_38, %dma_start3A_42] : memref<4x128xi32, #tpu.memory_space<vmem>> -> memref<1x128xi32, #tpu.memory_space<vmem>>
    %dma_start3A_44 = tpu.memref_squeeze %dma_start3A_43 : memref<1x128xi32, #tpu.memory_space<vmem>> -> memref<128xi32, #tpu.memory_space<vmem>>
    %dma_start3A_45 = arith.constant 0 : i32
    %dma_start3A_46 = arith.constant 0 : i32
    %dma_start3A_47 = tpu.memref_slice %arg4[%dma_start3A_45, %dma_start3A_46] : memref<1000001x32xf32, #tpu.memory_space<hbm>> -> memref<1000001x32xf32, #tpu.memory_space<hbm>>
    tpu.enqueue_indirect_dma source(%dma_start3A_47 : memref<1000001x32xf32, #tpu.memory_space<hbm>>) target(%dma_start3A_41 : memref<128x32xf32, #tpu.memory_space<vmem>>) offsets(%dma_start3A_44 : memref<128xi32, #tpu.memory_space<vmem>>) semaphore(%arg18 : memref<!tpu.dma_semaphore, #tpu.memory_space<semaphore_mem>>)
    %dma_start3A_48 = arith.constant 1 : i32
    %dma_start3A_49 = arith.constant 128 : i32
    %dma_start3A_50 = arith.constant 0 : i32
    %dma_start3A_51 = tpu.memref_slice %arg13[%dma_start3A_49, %dma_start3A_50] : memref<512x32xf32, #tpu.memory_space<vmem>> -> memref<128x32xf32, #tpu.memory_space<vmem>>
    %dma_start3A_52 = arith.constant 0 : i32
    %dma_start3A_53 = tpu.memref_slice %arg11[%dma_start3A_48, %dma_start3A_52] : memref<4x128xi32, #tpu.memory_space<vmem>> -> memref<1x128xi32, #tpu.memory_space<vmem>>
    %dma_start3A_54 = tpu.memref_squeeze %dma_start3A_53 : memref<1x128xi32, #tpu.memory_space<vmem>> -> memref<128xi32, #tpu.memory_space<vmem>>
    %dma_start3A_55 = arith.constant 0 : i32
    %dma_start3A_56 = arith.constant 0 : i32
    %dma_start3A_57 = tpu.memref_slice %arg5[%dma_start3A_55, %dma_start3A_56] : memref<1000001x32xf32, #tpu.memory_space<hbm>> -> memref<1000001x32xf32, #tpu.memory_space<hbm>>
    tpu.enqueue_indirect_dma source(%dma_start3A_57 : memref<1000001x32xf32, #tpu.memory_space<hbm>>) target(%dma_start3A_51 : memref<128x32xf32, #tpu.memory_space<vmem>>) offsets(%dma_start3A_54 : memref<128xi32, #tpu.memory_space<vmem>>) semaphore(%arg18 : memref<!tpu.dma_semaphore, #tpu.memory_space<semaphore_mem>>)
    %dma_start3A_58 = arith.constant 1 : i32
    %dma_start3A_59 = arith.constant 128 : i32
    %dma_start3A_60 = tpu.memref_slice %arg14[%dma_start3A_59] : memref<512xf32, #tpu.memory_space<vmem>> -> memref<128xf32, #tpu.memory_space<vmem>>
    %dma_start3A_61 = arith.constant 0 : i32
    %dma_start3A_62 = tpu.memref_slice %arg10[%dma_start3A_58, %dma_start3A_61] : memref<4x128xi32, #tpu.memory_space<vmem>> -> memref<1x128xi32, #tpu.memory_space<vmem>>
    %dma_start3A_63 = tpu.memref_squeeze %dma_start3A_62 : memref<1x128xi32, #tpu.memory_space<vmem>> -> memref<128xi32, #tpu.memory_space<vmem>>
    %dma_start3A_64 = arith.constant 0 : i32
    %dma_start3A_65 = tpu.memref_slice %arg6[%dma_start3A_64] : memref<1000001xf32, #tpu.memory_space<hbm>> -> memref<1000001xf32, #tpu.memory_space<hbm>>
    tpu.enqueue_indirect_dma source(%dma_start3A_65 : memref<1000001xf32, #tpu.memory_space<hbm>>) target(%dma_start3A_60 : memref<128xf32, #tpu.memory_space<vmem>>) offsets(%dma_start3A_63 : memref<128xi32, #tpu.memory_space<vmem>>) semaphore(%arg18 : memref<!tpu.dma_semaphore, #tpu.memory_space<semaphore_mem>>)
    %dma_start3A_66 = arith.constant 1 : i32
    %dma_start3A_67 = arith.constant 128 : i32
    %dma_start3A_68 = tpu.memref_slice %arg15[%dma_start3A_67] : memref<512xf32, #tpu.memory_space<vmem>> -> memref<128xf32, #tpu.memory_space<vmem>>
    %dma_start3A_69 = arith.constant 0 : i32
    %dma_start3A_70 = tpu.memref_slice %arg11[%dma_start3A_66, %dma_start3A_69] : memref<4x128xi32, #tpu.memory_space<vmem>> -> memref<1x128xi32, #tpu.memory_space<vmem>>
    %dma_start3A_71 = tpu.memref_squeeze %dma_start3A_70 : memref<1x128xi32, #tpu.memory_space<vmem>> -> memref<128xi32, #tpu.memory_space<vmem>>
    %dma_start3A_72 = arith.constant 0 : i32
    %dma_start3A_73 = tpu.memref_slice %arg7[%dma_start3A_72] : memref<1000001xf32, #tpu.memory_space<hbm>> -> memref<1000001xf32, #tpu.memory_space<hbm>>
    tpu.enqueue_indirect_dma source(%dma_start3A_73 : memref<1000001xf32, #tpu.memory_space<hbm>>) target(%dma_start3A_68 : memref<128xf32, #tpu.memory_space<vmem>>) offsets(%dma_start3A_71 : memref<128xi32, #tpu.memory_space<vmem>>) semaphore(%arg18 : memref<!tpu.dma_semaphore, #tpu.memory_space<semaphore_mem>>)
    %dma_start3A_74 = arith.constant 2 : i32
    %dma_start3A_75 = arith.constant 256 : i32
    %dma_start3A_76 = arith.constant 0 : i32
    %dma_start3A_77 = tpu.memref_slice %arg12[%dma_start3A_75, %dma_start3A_76] : memref<512x32xf32, #tpu.memory_space<vmem>> -> memref<128x32xf32, #tpu.memory_space<vmem>>
    %dma_start3A_78 = arith.constant 0 : i32
    %dma_start3A_79 = tpu.memref_slice %arg10[%dma_start3A_74, %dma_start3A_78] : memref<4x128xi32, #tpu.memory_space<vmem>> -> memref<1x128xi32, #tpu.memory_space<vmem>>
    %dma_start3A_80 = tpu.memref_squeeze %dma_start3A_79 : memref<1x128xi32, #tpu.memory_space<vmem>> -> memref<128xi32, #tpu.memory_space<vmem>>
    %dma_start3A_81 = arith.constant 0 : i32
    %dma_start3A_82 = arith.constant 0 : i32
    %dma_start3A_83 = tpu.memref_slice %arg4[%dma_start3A_81, %dma_start3A_82] : memref<1000001x32xf32, #tpu.memory_space<hbm>> -> memref<1000001x32xf32, #tpu.memory_space<hbm>>
    tpu.enqueue_indirect_dma source(%dma_start3A_83 : memref<1000001x32xf32, #tpu.memory_space<hbm>>) target(%dma_start3A_77 : memref<128x32xf32, #tpu.memory_space<vmem>>) offsets(%dma_start3A_80 : memref<128xi32, #tpu.memory_space<vmem>>) semaphore(%arg18 : memref<!tpu.dma_semaphore, #tpu.memory_space<semaphore_mem>>)
    %dma_start3A_84 = arith.constant 2 : i32
    %dma_start3A_85 = arith.constant 256 : i32
    %dma_start3A_86 = arith.constant 0 : i32
    %dma_start3A_87 = tpu.memref_slice %arg13[%dma_start3A_85, %dma_start3A_86] : memref<512x32xf32, #tpu.memory_space<vmem>> -> memref<128x32xf32, #tpu.memory_space<vmem>>
    %dma_start3A_88 = arith.constant 0 : i32
    %dma_start3A_89 = tpu.memref_slice %arg11[%dma_start3A_84, %dma_start3A_88] : memref<4x128xi32, #tpu.memory_space<vmem>> -> memref<1x128xi32, #tpu.memory_space<vmem>>
    %dma_start3A_90 = tpu.memref_squeeze %dma_start3A_89 : memref<1x128xi32, #tpu.memory_space<vmem>> -> memref<128xi32, #tpu.memory_space<vmem>>
    %dma_start3A_91 = arith.constant 0 : i32
    %dma_start3A_92 = arith.constant 0 : i32
    %dma_start3A_93 = tpu.memref_slice %arg5[%dma_start3A_91, %dma_start3A_92] : memref<1000001x32xf32, #tpu.memory_space<hbm>> -> memref<1000001x32xf32, #tpu.memory_space<hbm>>
    tpu.enqueue_indirect_dma source(%dma_start3A_93 : memref<1000001x32xf32, #tpu.memory_space<hbm>>) target(%dma_start3A_87 : memref<128x32xf32, #tpu.memory_space<vmem>>) offsets(%dma_start3A_90 : memref<128xi32, #tpu.memory_space<vmem>>) semaphore(%arg18 : memref<!tpu.dma_semaphore, #tpu.memory_space<semaphore_mem>>)
    %dma_start3A_94 = arith.constant 2 : i32
    %dma_start3A_95 = arith.constant 256 : i32
    %dma_start3A_96 = tpu.memref_slice %arg14[%dma_start3A_95] : memref<512xf32, #tpu.memory_space<vmem>> -> memref<128xf32, #tpu.memory_space<vmem>>
    %dma_start3A_97 = arith.constant 0 : i32
    %dma_start3A_98 = tpu.memref_slice %arg10[%dma_start3A_94, %dma_start3A_97] : memref<4x128xi32, #tpu.memory_space<vmem>> -> memref<1x128xi32, #tpu.memory_space<vmem>>
    %dma_start3A_99 = tpu.memref_squeeze %dma_start3A_98 : memref<1x128xi32, #tpu.memory_space<vmem>> -> memref<128xi32, #tpu.memory_space<vmem>>
    %dma_start3A_100 = arith.constant 0 : i32
    %dma_start3A_101 = tpu.memref_slice %arg6[%dma_start3A_100] : memref<1000001xf32, #tpu.memory_space<hbm>> -> memref<1000001xf32, #tpu.memory_space<hbm>>
    tpu.enqueue_indirect_dma source(%dma_start3A_101 : memref<1000001xf32, #tpu.memory_space<hbm>>) target(%dma_start3A_96 : memref<128xf32, #tpu.memory_space<vmem>>) offsets(%dma_start3A_99 : memref<128xi32, #tpu.memory_space<vmem>>) semaphore(%arg18 : memref<!tpu.dma_semaphore, #tpu.memory_space<semaphore_mem>>)
    %dma_start3A_102 = arith.constant 2 : i32
    %dma_start3A_103 = arith.constant 256 : i32
    %dma_start3A_104 = tpu.memref_slice %arg15[%dma_start3A_103] : memref<512xf32, #tpu.memory_space<vmem>> -> memref<128xf32, #tpu.memory_space<vmem>>
    %dma_start3A_105 = arith.constant 0 : i32
    %dma_start3A_106 = tpu.memref_slice %arg11[%dma_start3A_102, %dma_start3A_105] : memref<4x128xi32, #tpu.memory_space<vmem>> -> memref<1x128xi32, #tpu.memory_space<vmem>>
    %dma_start3A_107 = tpu.memref_squeeze %dma_start3A_106 : memref<1x128xi32, #tpu.memory_space<vmem>> -> memref<128xi32, #tpu.memory_space<vmem>>
    %dma_start3A_108 = arith.constant 0 : i32
    %dma_start3A_109 = tpu.memref_slice %arg7[%dma_start3A_108] : memref<1000001xf32, #tpu.memory_space<hbm>> -> memref<1000001xf32, #tpu.memory_space<hbm>>
    tpu.enqueue_indirect_dma source(%dma_start3A_109 : memref<1000001xf32, #tpu.memory_space<hbm>>) target(%dma_start3A_104 : memref<128xf32, #tpu.memory_space<vmem>>) offsets(%dma_start3A_107 : memref<128xi32, #tpu.memory_space<vmem>>) semaphore(%arg18 : memref<!tpu.dma_semaphore, #tpu.memory_space<semaphore_mem>>)
    %dma_start3A_110 = arith.constant 3 : i32
    %dma_start3A_111 = arith.constant 384 : i32
    %dma_start3A_112 = arith.constant 0 : i32
    %dma_start3A_113 = tpu.memref_slice %arg12[%dma_start3A_111, %dma_start3A_112] : memref<512x32xf32, #tpu.memory_space<vmem>> -> memref<128x32xf32, #tpu.memory_space<vmem>>
    %dma_start3A_114 = arith.constant 0 : i32
    %dma_start3A_115 = tpu.memref_slice %arg10[%dma_start3A_110, %dma_start3A_114] : memref<4x128xi32, #tpu.memory_space<vmem>> -> memref<1x128xi32, #tpu.memory_space<vmem>>
    %dma_start3A_116 = tpu.memref_squeeze %dma_start3A_115 : memref<1x128xi32, #tpu.memory_space<vmem>> -> memref<128xi32, #tpu.memory_space<vmem>>
    %dma_start3A_117 = arith.constant 0 : i32
    %dma_start3A_118 = arith.constant 0 : i32
    %dma_start3A_119 = tpu.memref_slice %arg4[%dma_start3A_117, %dma_start3A_118] : memref<1000001x32xf32, #tpu.memory_space<hbm>> -> memref<1000001x32xf32, #tpu.memory_space<hbm>>
    tpu.enqueue_indirect_dma source(%dma_start3A_119 : memref<1000001x32xf32, #tpu.memory_space<hbm>>) target(%dma_start3A_113 : memref<128x32xf32, #tpu.memory_space<vmem>>) offsets(%dma_start3A_116 : memref<128xi32, #tpu.memory_space<vmem>>) semaphore(%arg18 : memref<!tpu.dma_semaphore, #tpu.memory_space<semaphore_mem>>)
    %dma_start3A_120 = arith.constant 3 : i32
    %dma_start3A_121 = arith.constant 384 : i32
    %dma_start3A_122 = arith.constant 0 : i32
    %dma_start3A_123 = tpu.memref_slice %arg13[%dma_start3A_121, %dma_start3A_122] : memref<512x32xf32, #tpu.memory_space<vmem>> -> memref<128x32xf32, #tpu.memory_space<vmem>>
    %dma_start3A_124 = arith.constant 0 : i32
    %dma_start3A_125 = tpu.memref_slice %arg11[%dma_start3A_120, %dma_start3A_124] : memref<4x128xi32, #tpu.memory_space<vmem>> -> memref<1x128xi32, #tpu.memory_space<vmem>>
    %dma_start3A_126 = tpu.memref_squeeze %dma_start3A_125 : memref<1x128xi32, #tpu.memory_space<vmem>> -> memref<128xi32, #tpu.memory_space<vmem>>
    %dma_start3A_127 = arith.constant 0 : i32
    %dma_start3A_128 = arith.constant 0 : i32
    %dma_start3A_129 = tpu.memref_slice %arg5[%dma_start3A_127, %dma_start3A_128] : memref<1000001x32xf32, #tpu.memory_space<hbm>> -> memref<1000001x32xf32, #tpu.memory_space<hbm>>
    tpu.enqueue_indirect_dma source(%dma_start3A_129 : memref<1000001x32xf32, #tpu.memory_space<hbm>>) target(%dma_start3A_123 : memref<128x32xf32, #tpu.memory_space<vmem>>) offsets(%dma_start3A_126 : memref<128xi32, #tpu.memory_space<vmem>>) semaphore(%arg18 : memref<!tpu.dma_semaphore, #tpu.memory_space<semaphore_mem>>)
    %dma_start3A_130 = arith.constant 3 : i32
    %dma_start3A_131 = arith.constant 384 : i32
    %dma_start3A_132 = tpu.memref_slice %arg14[%dma_start3A_131] : memref<512xf32, #tpu.memory_space<vmem>> -> memref<128xf32, #tpu.memory_space<vmem>>
    %dma_start3A_133 = arith.constant 0 : i32
    %dma_start3A_134 = tpu.memref_slice %arg10[%dma_start3A_130, %dma_start3A_133] : memref<4x128xi32, #tpu.memory_space<vmem>> -> memref<1x128xi32, #tpu.memory_space<vmem>>
    %dma_start3A_135 = tpu.memref_squeeze %dma_start3A_134 : memref<1x128xi32, #tpu.memory_space<vmem>> -> memref<128xi32, #tpu.memory_space<vmem>>
    %dma_start3A_136 = arith.constant 0 : i32
    %dma_start3A_137 = tpu.memref_slice %arg6[%dma_start3A_136] : memref<1000001xf32, #tpu.memory_space<hbm>> -> memref<1000001xf32, #tpu.memory_space<hbm>>
    tpu.enqueue_indirect_dma source(%dma_start3A_137 : memref<1000001xf32, #tpu.memory_space<hbm>>) target(%dma_start3A_132 : memref<128xf32, #tpu.memory_space<vmem>>) offsets(%dma_start3A_135 : memref<128xi32, #tpu.memory_space<vmem>>) semaphore(%arg18 : memref<!tpu.dma_semaphore, #tpu.memory_space<semaphore_mem>>)
    %dma_start3A_138 = arith.constant 3 : i32
    %dma_start3A_139 = arith.constant 384 : i32
    %dma_start3A_140 = tpu.memref_slice %arg15[%dma_start3A_139] : memref<512xf32, #tpu.memory_space<vmem>> -> memref<128xf32, #tpu.memory_space<vmem>>
    %dma_start3A_141 = arith.constant 0 : i32
    %dma_start3A_142 = tpu.memref_slice %arg11[%dma_start3A_138, %dma_start3A_141] : memref<4x128xi32, #tpu.memory_space<vmem>> -> memref<1x128xi32, #tpu.memory_space<vmem>>
    %dma_start3A_143 = tpu.memref_squeeze %dma_start3A_142 : memref<1x128xi32, #tpu.memory_space<vmem>> -> memref<128xi32, #tpu.memory_space<vmem>>
    %dma_start3A_144 = arith.constant 0 : i32
    %dma_start3A_145 = tpu.memref_slice %arg7[%dma_start3A_144] : memref<1000001xf32, #tpu.memory_space<hbm>> -> memref<1000001xf32, #tpu.memory_space<hbm>>
    tpu.enqueue_indirect_dma source(%dma_start3A_145 : memref<1000001xf32, #tpu.memory_space<hbm>>) target(%dma_start3A_140 : memref<128xf32, #tpu.memory_space<vmem>>) offsets(%dma_start3A_143 : memref<128xi32, #tpu.memory_space<vmem>>) semaphore(%arg18 : memref<!tpu.dma_semaphore, #tpu.memory_space<semaphore_mem>>)
    %dma_wait3A = arith.constant 0 : i32
    %dma_wait3A_146 = arith.constant 0 : i32
    %dma_wait3A_147 = arith.constant 0 : i32
    %dma_wait3A_148 = tpu.memref_slice %arg12[%dma_wait3A_146, %dma_wait3A_147] : memref<512x32xf32, #tpu.memory_space<vmem>> -> memref<128x32xf32, #tpu.memory_space<vmem>>
    %dma_wait3A_149 = arith.constant 0 : i32
    %dma_wait3A_150 = tpu.memref_slice %arg10[%dma_wait3A, %dma_wait3A_149] : memref<4x128xi32, #tpu.memory_space<vmem>> -> memref<1x128xi32, #tpu.memory_space<vmem>>
    %dma_wait3A_151 = tpu.memref_squeeze %dma_wait3A_150 : memref<1x128xi32, #tpu.memory_space<vmem>> -> memref<128xi32, #tpu.memory_space<vmem>>
    %dma_wait3A_152 = arith.constant 0 : i32
    %dma_wait3A_153 = arith.constant 0 : i32
    %dma_wait3A_154 = tpu.memref_slice %arg4[%dma_wait3A_152, %dma_wait3A_153] : memref<1000001x32xf32, #tpu.memory_space<hbm>> -> memref<1000001x32xf32, #tpu.memory_space<hbm>>
    tpu.wait_indirect_dma semaphore(%arg18 : memref<!tpu.dma_semaphore, #tpu.memory_space<semaphore_mem>>) src(%dma_wait3A_154 : memref<1000001x32xf32, #tpu.memory_space<hbm>>) dst(%dma_wait3A_148 : memref<128x32xf32, #tpu.memory_space<vmem>>)
    %dma_wait3A_155 = arith.constant 0 : i32
    %dma_wait3A_156 = arith.constant 0 : i32
    %dma_wait3A_157 = arith.constant 0 : i32
    %dma_wait3A_158 = tpu.memref_slice %arg13[%dma_wait3A_156, %dma_wait3A_157] : memref<512x32xf32, #tpu.memory_space<vmem>> -> memref<128x32xf32, #tpu.memory_space<vmem>>
    %dma_wait3A_159 = arith.constant 0 : i32
    %dma_wait3A_160 = tpu.memref_slice %arg11[%dma_wait3A_155, %dma_wait3A_159] : memref<4x128xi32, #tpu.memory_space<vmem>> -> memref<1x128xi32, #tpu.memory_space<vmem>>
    %dma_wait3A_161 = tpu.memref_squeeze %dma_wait3A_160 : memref<1x128xi32, #tpu.memory_space<vmem>> -> memref<128xi32, #tpu.memory_space<vmem>>
    %dma_wait3A_162 = arith.constant 0 : i32
    %dma_wait3A_163 = arith.constant 0 : i32
    %dma_wait3A_164 = tpu.memref_slice %arg5[%dma_wait3A_162, %dma_wait3A_163] : memref<1000001x32xf32, #tpu.memory_space<hbm>> -> memref<1000001x32xf32, #tpu.memory_space<hbm>>
    tpu.wait_indirect_dma semaphore(%arg18 : memref<!tpu.dma_semaphore, #tpu.memory_space<semaphore_mem>>) src(%dma_wait3A_164 : memref<1000001x32xf32, #tpu.memory_space<hbm>>) dst(%dma_wait3A_158 : memref<128x32xf32, #tpu.memory_space<vmem>>)
    %dma_wait3A_165 = arith.constant 0 : i32
    %dma_wait3A_166 = arith.constant 0 : i32
    %dma_wait3A_167 = tpu.memref_slice %arg14[%dma_wait3A_166] : memref<512xf32, #tpu.memory_space<vmem>> -> memref<128xf32, #tpu.memory_space<vmem>>
    %dma_wait3A_168 = arith.constant 0 : i32
    %dma_wait3A_169 = tpu.memref_slice %arg10[%dma_wait3A_165, %dma_wait3A_168] : memref<4x128xi32, #tpu.memory_space<vmem>> -> memref<1x128xi32, #tpu.memory_space<vmem>>
    %dma_wait3A_170 = tpu.memref_squeeze %dma_wait3A_169 : memref<1x128xi32, #tpu.memory_space<vmem>> -> memref<128xi32, #tpu.memory_space<vmem>>
    %dma_wait3A_171 = arith.constant 0 : i32
    %dma_wait3A_172 = tpu.memref_slice %arg6[%dma_wait3A_171] : memref<1000001xf32, #tpu.memory_space<hbm>> -> memref<1000001xf32, #tpu.memory_space<hbm>>
    tpu.wait_indirect_dma semaphore(%arg18 : memref<!tpu.dma_semaphore, #tpu.memory_space<semaphore_mem>>) src(%dma_wait3A_172 : memref<1000001xf32, #tpu.memory_space<hbm>>) dst(%dma_wait3A_167 : memref<128xf32, #tpu.memory_space<vmem>>)
    %dma_wait3A_173 = arith.constant 0 : i32
    %dma_wait3A_174 = arith.constant 0 : i32
    %dma_wait3A_175 = tpu.memref_slice %arg15[%dma_wait3A_174] : memref<512xf32, #tpu.memory_space<vmem>> -> memref<128xf32, #tpu.memory_space<vmem>>
    %dma_wait3A_176 = arith.constant 0 : i32
    %dma_wait3A_177 = tpu.memref_slice %arg11[%dma_wait3A_173, %dma_wait3A_176] : memref<4x128xi32, #tpu.memory_space<vmem>> -> memref<1x128xi32, #tpu.memory_space<vmem>>
    %dma_wait3A_178 = tpu.memref_squeeze %dma_wait3A_177 : memref<1x128xi32, #tpu.memory_space<vmem>> -> memref<128xi32, #tpu.memory_space<vmem>>
    %dma_wait3A_179 = arith.constant 0 : i32
    %dma_wait3A_180 = tpu.memref_slice %arg7[%dma_wait3A_179] : memref<1000001xf32, #tpu.memory_space<hbm>> -> memref<1000001xf32, #tpu.memory_space<hbm>>
    tpu.wait_indirect_dma semaphore(%arg18 : memref<!tpu.dma_semaphore, #tpu.memory_space<semaphore_mem>>) src(%dma_wait3A_180 : memref<1000001xf32, #tpu.memory_space<hbm>>) dst(%dma_wait3A_175 : memref<128xf32, #tpu.memory_space<vmem>>)
    %dma_wait3A_181 = arith.constant 1 : i32
    %dma_wait3A_182 = arith.constant 128 : i32
    %dma_wait3A_183 = arith.constant 0 : i32
    %dma_wait3A_184 = tpu.memref_slice %arg12[%dma_wait3A_182, %dma_wait3A_183] : memref<512x32xf32, #tpu.memory_space<vmem>> -> memref<128x32xf32, #tpu.memory_space<vmem>>
    %dma_wait3A_185 = arith.constant 0 : i32
    %dma_wait3A_186 = tpu.memref_slice %arg10[%dma_wait3A_181, %dma_wait3A_185] : memref<4x128xi32, #tpu.memory_space<vmem>> -> memref<1x128xi32, #tpu.memory_space<vmem>>
    %dma_wait3A_187 = tpu.memref_squeeze %dma_wait3A_186 : memref<1x128xi32, #tpu.memory_space<vmem>> -> memref<128xi32, #tpu.memory_space<vmem>>
    %dma_wait3A_188 = arith.constant 0 : i32
    %dma_wait3A_189 = arith.constant 0 : i32
    %dma_wait3A_190 = tpu.memref_slice %arg4[%dma_wait3A_188, %dma_wait3A_189] : memref<1000001x32xf32, #tpu.memory_space<hbm>> -> memref<1000001x32xf32, #tpu.memory_space<hbm>>
    tpu.wait_indirect_dma semaphore(%arg18 : memref<!tpu.dma_semaphore, #tpu.memory_space<semaphore_mem>>) src(%dma_wait3A_190 : memref<1000001x32xf32, #tpu.memory_space<hbm>>) dst(%dma_wait3A_184 : memref<128x32xf32, #tpu.memory_space<vmem>>)
    %dma_wait3A_191 = arith.constant 1 : i32
    %dma_wait3A_192 = arith.constant 128 : i32
    %dma_wait3A_193 = arith.constant 0 : i32
    %dma_wait3A_194 = tpu.memref_slice %arg13[%dma_wait3A_192, %dma_wait3A_193] : memref<512x32xf32, #tpu.memory_space<vmem>> -> memref<128x32xf32, #tpu.memory_space<vmem>>
    %dma_wait3A_195 = arith.constant 0 : i32
    %dma_wait3A_196 = tpu.memref_slice %arg11[%dma_wait3A_191, %dma_wait3A_195] : memref<4x128xi32, #tpu.memory_space<vmem>> -> memref<1x128xi32, #tpu.memory_space<vmem>>
    %dma_wait3A_197 = tpu.memref_squeeze %dma_wait3A_196 : memref<1x128xi32, #tpu.memory_space<vmem>> -> memref<128xi32, #tpu.memory_space<vmem>>
    %dma_wait3A_198 = arith.constant 0 : i32
    %dma_wait3A_199 = arith.constant 0 : i32
    %dma_wait3A_200 = tpu.memref_slice %arg5[%dma_wait3A_198, %dma_wait3A_199] : memref<1000001x32xf32, #tpu.memory_space<hbm>> -> memref<1000001x32xf32, #tpu.memory_space<hbm>>
    tpu.wait_indirect_dma semaphore(%arg18 : memref<!tpu.dma_semaphore, #tpu.memory_space<semaphore_mem>>) src(%dma_wait3A_200 : memref<1000001x32xf32, #tpu.memory_space<hbm>>) dst(%dma_wait3A_194 : memref<128x32xf32, #tpu.memory_space<vmem>>)
    %dma_wait3A_201 = arith.constant 1 : i32
    %dma_wait3A_202 = arith.constant 128 : i32
    %dma_wait3A_203 = tpu.memref_slice %arg14[%dma_wait3A_202] : memref<512xf32, #tpu.memory_space<vmem>> -> memref<128xf32, #tpu.memory_space<vmem>>
    %dma_wait3A_204 = arith.constant 0 : i32
    %dma_wait3A_205 = tpu.memref_slice %arg10[%dma_wait3A_201, %dma_wait3A_204] : memref<4x128xi32, #tpu.memory_space<vmem>> -> memref<1x128xi32, #tpu.memory_space<vmem>>
    %dma_wait3A_206 = tpu.memref_squeeze %dma_wait3A_205 : memref<1x128xi32, #tpu.memory_space<vmem>> -> memref<128xi32, #tpu.memory_space<vmem>>
    %dma_wait3A_207 = arith.constant 0 : i32
    %dma_wait3A_208 = tpu.memref_slice %arg6[%dma_wait3A_207] : memref<1000001xf32, #tpu.memory_space<hbm>> -> memref<1000001xf32, #tpu.memory_space<hbm>>
    tpu.wait_indirect_dma semaphore(%arg18 : memref<!tpu.dma_semaphore, #tpu.memory_space<semaphore_mem>>) src(%dma_wait3A_208 : memref<1000001xf32, #tpu.memory_space<hbm>>) dst(%dma_wait3A_203 : memref<128xf32, #tpu.memory_space<vmem>>)
    %dma_wait3A_209 = arith.constant 1 : i32
    %dma_wait3A_210 = arith.constant 128 : i32
    %dma_wait3A_211 = tpu.memref_slice %arg15[%dma_wait3A_210] : memref<512xf32, #tpu.memory_space<vmem>> -> memref<128xf32, #tpu.memory_space<vmem>>
    %dma_wait3A_212 = arith.constant 0 : i32
    %dma_wait3A_213 = tpu.memref_slice %arg11[%dma_wait3A_209, %dma_wait3A_212] : memref<4x128xi32, #tpu.memory_space<vmem>> -> memref<1x128xi32, #tpu.memory_space<vmem>>
    %dma_wait3A_214 = tpu.memref_squeeze %dma_wait3A_213 : memref<1x128xi32, #tpu.memory_space<vmem>> -> memref<128xi32, #tpu.memory_space<vmem>>
    %dma_wait3A_215 = arith.constant 0 : i32
    %dma_wait3A_216 = tpu.memref_slice %arg7[%dma_wait3A_215] : memref<1000001xf32, #tpu.memory_space<hbm>> -> memref<1000001xf32, #tpu.memory_space<hbm>>
    tpu.wait_indirect_dma semaphore(%arg18 : memref<!tpu.dma_semaphore, #tpu.memory_space<semaphore_mem>>) src(%dma_wait3A_216 : memref<1000001xf32, #tpu.memory_space<hbm>>) dst(%dma_wait3A_211 : memref<128xf32, #tpu.memory_space<vmem>>)
    %dma_wait3A_217 = arith.constant 2 : i32
    %dma_wait3A_218 = arith.constant 256 : i32
    %dma_wait3A_219 = arith.constant 0 : i32
    %dma_wait3A_220 = tpu.memref_slice %arg12[%dma_wait3A_218, %dma_wait3A_219] : memref<512x32xf32, #tpu.memory_space<vmem>> -> memref<128x32xf32, #tpu.memory_space<vmem>>
    %dma_wait3A_221 = arith.constant 0 : i32
    %dma_wait3A_222 = tpu.memref_slice %arg10[%dma_wait3A_217, %dma_wait3A_221] : memref<4x128xi32, #tpu.memory_space<vmem>> -> memref<1x128xi32, #tpu.memory_space<vmem>>
    %dma_wait3A_223 = tpu.memref_squeeze %dma_wait3A_222 : memref<1x128xi32, #tpu.memory_space<vmem>> -> memref<128xi32, #tpu.memory_space<vmem>>
    %dma_wait3A_224 = arith.constant 0 : i32
    %dma_wait3A_225 = arith.constant 0 : i32
    %dma_wait3A_226 = tpu.memref_slice %arg4[%dma_wait3A_224, %dma_wait3A_225] : memref<1000001x32xf32, #tpu.memory_space<hbm>> -> memref<1000001x32xf32, #tpu.memory_space<hbm>>
    tpu.wait_indirect_dma semaphore(%arg18 : memref<!tpu.dma_semaphore, #tpu.memory_space<semaphore_mem>>) src(%dma_wait3A_226 : memref<1000001x32xf32, #tpu.memory_space<hbm>>) dst(%dma_wait3A_220 : memref<128x32xf32, #tpu.memory_space<vmem>>)
    %dma_wait3A_227 = arith.constant 2 : i32
    %dma_wait3A_228 = arith.constant 256 : i32
    %dma_wait3A_229 = arith.constant 0 : i32
    %dma_wait3A_230 = tpu.memref_slice %arg13[%dma_wait3A_228, %dma_wait3A_229] : memref<512x32xf32, #tpu.memory_space<vmem>> -> memref<128x32xf32, #tpu.memory_space<vmem>>
    %dma_wait3A_231 = arith.constant 0 : i32
    %dma_wait3A_232 = tpu.memref_slice %arg11[%dma_wait3A_227, %dma_wait3A_231] : memref<4x128xi32, #tpu.memory_space<vmem>> -> memref<1x128xi32, #tpu.memory_space<vmem>>
    %dma_wait3A_233 = tpu.memref_squeeze %dma_wait3A_232 : memref<1x128xi32, #tpu.memory_space<vmem>> -> memref<128xi32, #tpu.memory_space<vmem>>
    %dma_wait3A_234 = arith.constant 0 : i32
    %dma_wait3A_235 = arith.constant 0 : i32
    %dma_wait3A_236 = tpu.memref_slice %arg5[%dma_wait3A_234, %dma_wait3A_235] : memref<1000001x32xf32, #tpu.memory_space<hbm>> -> memref<1000001x32xf32, #tpu.memory_space<hbm>>
    tpu.wait_indirect_dma semaphore(%arg18 : memref<!tpu.dma_semaphore, #tpu.memory_space<semaphore_mem>>) src(%dma_wait3A_236 : memref<1000001x32xf32, #tpu.memory_space<hbm>>) dst(%dma_wait3A_230 : memref<128x32xf32, #tpu.memory_space<vmem>>)
    %dma_wait3A_237 = arith.constant 2 : i32
    %dma_wait3A_238 = arith.constant 256 : i32
    %dma_wait3A_239 = tpu.memref_slice %arg14[%dma_wait3A_238] : memref<512xf32, #tpu.memory_space<vmem>> -> memref<128xf32, #tpu.memory_space<vmem>>
    %dma_wait3A_240 = arith.constant 0 : i32
    %dma_wait3A_241 = tpu.memref_slice %arg10[%dma_wait3A_237, %dma_wait3A_240] : memref<4x128xi32, #tpu.memory_space<vmem>> -> memref<1x128xi32, #tpu.memory_space<vmem>>
    %dma_wait3A_242 = tpu.memref_squeeze %dma_wait3A_241 : memref<1x128xi32, #tpu.memory_space<vmem>> -> memref<128xi32, #tpu.memory_space<vmem>>
    %dma_wait3A_243 = arith.constant 0 : i32
    %dma_wait3A_244 = tpu.memref_slice %arg6[%dma_wait3A_243] : memref<1000001xf32, #tpu.memory_space<hbm>> -> memref<1000001xf32, #tpu.memory_space<hbm>>
    tpu.wait_indirect_dma semaphore(%arg18 : memref<!tpu.dma_semaphore, #tpu.memory_space<semaphore_mem>>) src(%dma_wait3A_244 : memref<1000001xf32, #tpu.memory_space<hbm>>) dst(%dma_wait3A_239 : memref<128xf32, #tpu.memory_space<vmem>>)
    %dma_wait3A_245 = arith.constant 2 : i32
    %dma_wait3A_246 = arith.constant 256 : i32
    %dma_wait3A_247 = tpu.memref_slice %arg15[%dma_wait3A_246] : memref<512xf32, #tpu.memory_space<vmem>> -> memref<128xf32, #tpu.memory_space<vmem>>
    %dma_wait3A_248 = arith.constant 0 : i32
    %dma_wait3A_249 = tpu.memref_slice %arg11[%dma_wait3A_245, %dma_wait3A_248] : memref<4x128xi32, #tpu.memory_space<vmem>> -> memref<1x128xi32, #tpu.memory_space<vmem>>
    %dma_wait3A_250 = tpu.memref_squeeze %dma_wait3A_249 : memref<1x128xi32, #tpu.memory_space<vmem>> -> memref<128xi32, #tpu.memory_space<vmem>>
    %dma_wait3A_251 = arith.constant 0 : i32
    %dma_wait3A_252 = tpu.memref_slice %arg7[%dma_wait3A_251] : memref<1000001xf32, #tpu.memory_space<hbm>> -> memref<1000001xf32, #tpu.memory_space<hbm>>
    tpu.wait_indirect_dma semaphore(%arg18 : memref<!tpu.dma_semaphore, #tpu.memory_space<semaphore_mem>>) src(%dma_wait3A_252 : memref<1000001xf32, #tpu.memory_space<hbm>>) dst(%dma_wait3A_247 : memref<128xf32, #tpu.memory_space<vmem>>)
    %dma_wait3A_253 = arith.constant 3 : i32
    %dma_wait3A_254 = arith.constant 384 : i32
    %dma_wait3A_255 = arith.constant 0 : i32
    %dma_wait3A_256 = tpu.memref_slice %arg12[%dma_wait3A_254, %dma_wait3A_255] : memref<512x32xf32, #tpu.memory_space<vmem>> -> memref<128x32xf32, #tpu.memory_space<vmem>>
    %dma_wait3A_257 = arith.constant 0 : i32
    %dma_wait3A_258 = tpu.memref_slice %arg10[%dma_wait3A_253, %dma_wait3A_257] : memref<4x128xi32, #tpu.memory_space<vmem>> -> memref<1x128xi32, #tpu.memory_space<vmem>>
    %dma_wait3A_259 = tpu.memref_squeeze %dma_wait3A_258 : memref<1x128xi32, #tpu.memory_space<vmem>> -> memref<128xi32, #tpu.memory_space<vmem>>
    %dma_wait3A_260 = arith.constant 0 : i32
    %dma_wait3A_261 = arith.constant 0 : i32
    %dma_wait3A_262 = tpu.memref_slice %arg4[%dma_wait3A_260, %dma_wait3A_261] : memref<1000001x32xf32, #tpu.memory_space<hbm>> -> memref<1000001x32xf32, #tpu.memory_space<hbm>>
    tpu.wait_indirect_dma semaphore(%arg18 : memref<!tpu.dma_semaphore, #tpu.memory_space<semaphore_mem>>) src(%dma_wait3A_262 : memref<1000001x32xf32, #tpu.memory_space<hbm>>) dst(%dma_wait3A_256 : memref<128x32xf32, #tpu.memory_space<vmem>>)
    %dma_wait3A_263 = arith.constant 3 : i32
    %dma_wait3A_264 = arith.constant 384 : i32
    %dma_wait3A_265 = arith.constant 0 : i32
    %dma_wait3A_266 = tpu.memref_slice %arg13[%dma_wait3A_264, %dma_wait3A_265] : memref<512x32xf32, #tpu.memory_space<vmem>> -> memref<128x32xf32, #tpu.memory_space<vmem>>
    %dma_wait3A_267 = arith.constant 0 : i32
    %dma_wait3A_268 = tpu.memref_slice %arg11[%dma_wait3A_263, %dma_wait3A_267] : memref<4x128xi32, #tpu.memory_space<vmem>> -> memref<1x128xi32, #tpu.memory_space<vmem>>
    %dma_wait3A_269 = tpu.memref_squeeze %dma_wait3A_268 : memref<1x128xi32, #tpu.memory_space<vmem>> -> memref<128xi32, #tpu.memory_space<vmem>>
    %dma_wait3A_270 = arith.constant 0 : i32
    %dma_wait3A_271 = arith.constant 0 : i32
    %dma_wait3A_272 = tpu.memref_slice %arg5[%dma_wait3A_270, %dma_wait3A_271] : memref<1000001x32xf32, #tpu.memory_space<hbm>> -> memref<1000001x32xf32, #tpu.memory_space<hbm>>
    tpu.wait_indirect_dma semaphore(%arg18 : memref<!tpu.dma_semaphore, #tpu.memory_space<semaphore_mem>>) src(%dma_wait3A_272 : memref<1000001x32xf32, #tpu.memory_space<hbm>>) dst(%dma_wait3A_266 : memref<128x32xf32, #tpu.memory_space<vmem>>)
    %dma_wait3A_273 = arith.constant 3 : i32
    %dma_wait3A_274 = arith.constant 384 : i32
    %dma_wait3A_275 = tpu.memref_slice %arg14[%dma_wait3A_274] : memref<512xf32, #tpu.memory_space<vmem>> -> memref<128xf32, #tpu.memory_space<vmem>>
    %dma_wait3A_276 = arith.constant 0 : i32
    %dma_wait3A_277 = tpu.memref_slice %arg10[%dma_wait3A_273, %dma_wait3A_276] : memref<4x128xi32, #tpu.memory_space<vmem>> -> memref<1x128xi32, #tpu.memory_space<vmem>>
    %dma_wait3A_278 = tpu.memref_squeeze %dma_wait3A_277 : memref<1x128xi32, #tpu.memory_space<vmem>> -> memref<128xi32, #tpu.memory_space<vmem>>
    %dma_wait3A_279 = arith.constant 0 : i32
    %dma_wait3A_280 = tpu.memref_slice %arg6[%dma_wait3A_279] : memref<1000001xf32, #tpu.memory_space<hbm>> -> memref<1000001xf32, #tpu.memory_space<hbm>>
    tpu.wait_indirect_dma semaphore(%arg18 : memref<!tpu.dma_semaphore, #tpu.memory_space<semaphore_mem>>) src(%dma_wait3A_280 : memref<1000001xf32, #tpu.memory_space<hbm>>) dst(%dma_wait3A_275 : memref<128xf32, #tpu.memory_space<vmem>>)
    %dma_wait3A_281 = arith.constant 3 : i32
    %dma_wait3A_282 = arith.constant 384 : i32
    %dma_wait3A_283 = tpu.memref_slice %arg15[%dma_wait3A_282] : memref<512xf32, #tpu.memory_space<vmem>> -> memref<128xf32, #tpu.memory_space<vmem>>
    %dma_wait3A_284 = arith.constant 0 : i32
    %dma_wait3A_285 = tpu.memref_slice %arg11[%dma_wait3A_281, %dma_wait3A_284] : memref<4x128xi32, #tpu.memory_space<vmem>> -> memref<1x128xi32, #tpu.memory_space<vmem>>
    %dma_wait3A_286 = tpu.memref_squeeze %dma_wait3A_285 : memref<1x128xi32, #tpu.memory_space<vmem>> -> memref<128xi32, #tpu.memory_space<vmem>>
    %dma_wait3A_287 = arith.constant 0 : i32
    %dma_wait3A_288 = tpu.memref_slice %arg7[%dma_wait3A_287] : memref<1000001xf32, #tpu.memory_space<hbm>> -> memref<1000001xf32, #tpu.memory_space<hbm>>
    tpu.wait_indirect_dma semaphore(%arg18 : memref<!tpu.dma_semaphore, #tpu.memory_space<semaphore_mem>>) src(%dma_wait3A_288 : memref<1000001xf32, #tpu.memory_space<hbm>>) dst(%dma_wait3A_283 : memref<128xf32, #tpu.memory_space<vmem>>)
    %iota3A = tpu.iota {dimensions = array<i32: 0>} : vector<16xi32>
    %broadcast_in_dim3A = arith.constant 0.000000e+00 : f32
    %broadcast_in_dim3A_289 = vector.broadcast %broadcast_in_dim3A : f32 to vector<16xf32>
    %scan3A = arith.constant 0 : i32
    %scan3A_290 = arith.constant 32 : i32
    %scan3A_291 = arith.addi %scan3A, %scan3A_290 : i32
    %scan3A_292 = arith.constant 1 : i32
    %scan3A_293 = scf.for %scan3A_296 = %scan3A to %scan3A_291 step %scan3A_292 iter_args(%scan3A_297 = %broadcast_in_dim3A_289) -> (vector<16xf32>)  : i32 {
      %mul3A_298 = arith.constant 16 : i32
      %mul3A_299 = arith.muli %scan3A_296, %mul3A_298 : i32
      %add3A_300 = vector.broadcast %mul3A_299 : i32 to vector<16xi32>
      %add3A_301 = arith.addi %add3A_300, %iota3A : vector<16xi32>
      %broadcast_in_dim3A_302 = arith.constant 0.000000e+00 : f32
      %broadcast_in_dim3A_303 = vector.broadcast %broadcast_in_dim3A_302 : f32 to vector<16xf32>
      %broadcast_in_dim3A_304 = arith.constant 0 : i32
      %broadcast_in_dim3A_305 = vector.broadcast %broadcast_in_dim3A_304 : i32 to vector<16xi32>
      %gather3A = tpu.vector_load_idx %arg12[%add3A_301, %broadcast_in_dim3A_305] : memref<512x32xf32, #tpu.memory_space<vmem>>[vector<16xi32>, vector<16xi32>], vector<16xf32>,
      %gather3A_306 = tpu.vector_load_idx %arg13[%add3A_301, %broadcast_in_dim3A_305] : memref<512x32xf32, #tpu.memory_space<vmem>>[vector<16xi32>, vector<16xi32>], vector<16xf32>,
      %mul3A_307 = arith.mulf %gather3A, %gather3A_306 : vector<16xf32>
      %add3A_308 = arith.addf %broadcast_in_dim3A_303, %mul3A_307 : vector<16xf32>
      %mul3A_309 = arith.mulf %gather3A, %gather3A : vector<16xf32>
      %add3A_310 = arith.addf %scan3A_297, %mul3A_309 : vector<16xf32>
      %mul3A_311 = arith.mulf %gather3A_306, %gather3A_306 : vector<16xf32>
      %add3A_312 = arith.addf %add3A_310, %mul3A_311 : vector<16xf32>
      %broadcast_in_dim3A_313 = arith.constant 1 : i32
      %broadcast_in_dim3A_314 = vector.broadcast %broadcast_in_dim3A_313 : i32 to vector<16xi32>
      %gather3A_315 = tpu.vector_load_idx %arg12[%add3A_301, %broadcast_in_dim3A_314] : memref<512x32xf32, #tpu.memory_space<vmem>>[vector<16xi32>, vector<16xi32>], vector<16xf32>,
      %gather3A_316 = tpu.vector_load_idx %arg13[%add3A_301, %broadcast_in_dim3A_314] : memref<512x32xf32, #tpu.memory_space<vmem>>[vector<16xi32>, vector<16xi32>], vector<16xf32>,
      %mul3A_317 = arith.mulf %gather3A_315, %gather3A_316 : vector<16xf32>
      %add3A_318 = arith.addf %add3A_308, %mul3A_317 : vector<16xf32>
      %mul3A_319 = arith.mulf %gather3A_315, %gather3A_315 : vector<16xf32>
      %add3A_320 = arith.addf %add3A_312, %mul3A_319 : vector<16xf32>
      %mul3A_321 = arith.mulf %gather3A_316, %gather3A_316 : vector<16xf32>
      %add3A_322 = arith.addf %add3A_320, %mul3A_321 : vector<16xf32>
      %broadcast_in_dim3A_323 = arith.constant 2 : i32
      %broadcast_in_dim3A_324 = vector.broadcast %broadcast_in_dim3A_323 : i32 to vector<16xi32>
      %gather3A_325 = tpu.vector_load_idx %arg12[%add3A_301, %broadcast_in_dim3A_324] : memref<512x32xf32, #tpu.memory_space<vmem>>[vector<16xi32>, vector<16xi32>], vector<16xf32>,
      %gather3A_326 = tpu.vector_load_idx %arg13[%add3A_301, %broadcast_in_dim3A_324] : memref<512x32xf32, #tpu.memory_space<vmem>>[vector<16xi32>, vector<16xi32>], vector<16xf32>,
      %mul3A_327 = arith.mulf %gather3A_325, %gather3A_326 : vector<16xf32>
      %add3A_328 = arith.addf %add3A_318, %mul3A_327 : vector<16xf32>
      %mul3A_329 = arith.mulf %gather3A_325, %gather3A_325 : vector<16xf32>
      %add3A_330 = arith.addf %add3A_322, %mul3A_329 : vector<16xf32>
      %mul3A_331 = arith.mulf %gather3A_326, %gather3A_326 : vector<16xf32>
      %add3A_332 = arith.addf %add3A_330, %mul3A_331 : vector<16xf32>
      %broadcast_in_dim3A_333 = arith.constant 3 : i32
      %broadcast_in_dim3A_334 = vector.broadcast %broadcast_in_dim3A_333 : i32 to vector<16xi32>
      %gather3A_335 = tpu.vector_load_idx %arg12[%add3A_301, %broadcast_in_dim3A_334] : memref<512x32xf32, #tpu.memory_space<vmem>>[vector<16xi32>, vector<16xi32>], vector<16xf32>,
      %gather3A_336 = tpu.vector_load_idx %arg13[%add3A_301, %broadcast_in_dim3A_334] : memref<512x32xf32, #tpu.memory_space<vmem>>[vector<16xi32>, vector<16xi32>], vector<16xf32>,
      %mul3A_337 = arith.mulf %gather3A_335, %gather3A_336 : vector<16xf32>
      %add3A_338 = arith.addf %add3A_328, %mul3A_337 : vector<16xf32>
      %mul3A_339 = arith.mulf %gather3A_335, %gather3A_335 : vector<16xf32>
      %add3A_340 = arith.addf %add3A_332, %mul3A_339 : vector<16xf32>
      %mul3A_341 = arith.mulf %gather3A_336, %gather3A_336 : vector<16xf32>
      %add3A_342 = arith.addf %add3A_340, %mul3A_341 : vector<16xf32>
      %broadcast_in_dim3A_343 = arith.constant 4 : i32
      %broadcast_in_dim3A_344 = vector.broadcast %broadcast_in_dim3A_343 : i32 to vector<16xi32>
      %gather3A_345 = tpu.vector_load_idx %arg12[%add3A_301, %broadcast_in_dim3A_344] : memref<512x32xf32, #tpu.memory_space<vmem>>[vector<16xi32>, vector<16xi32>], vector<16xf32>,
      %gather3A_346 = tpu.vector_load_idx %arg13[%add3A_301, %broadcast_in_dim3A_344] : memref<512x32xf32, #tpu.memory_space<vmem>>[vector<16xi32>, vector<16xi32>], vector<16xf32>,
      %mul3A_347 = arith.mulf %gather3A_345, %gather3A_346 : vector<16xf32>
      %add3A_348 = arith.addf %add3A_338, %mul3A_347 : vector<16xf32>
      %mul3A_349 = arith.mulf %gather3A_345, %gather3A_345 : vector<16xf32>
      %add3A_350 = arith.addf %add3A_342, %mul3A_349 : vector<16xf32>
      %mul3A_351 = arith.mulf %gather3A_346, %gather3A_346 : vector<16xf32>
      %add3A_352 = arith.addf %add3A_350, %mul3A_351 : vector<16xf32>
      %broadcast_in_dim3A_353 = arith.constant 5 : i32
      %broadcast_in_dim3A_354 = vector.broadcast %broadcast_in_dim3A_353 : i32 to vector<16xi32>
      %gather3A_355 = tpu.vector_load_idx %arg12[%add3A_301, %broadcast_in_dim3A_354] : memref<512x32xf32, #tpu.memory_space<vmem>>[vector<16xi32>, vector<16xi32>], vector<16xf32>,
      %gather3A_356 = tpu.vector_load_idx %arg13[%add3A_301, %broadcast_in_dim3A_354] : memref<512x32xf32, #tpu.memory_space<vmem>>[vector<16xi32>, vector<16xi32>], vector<16xf32>,
      %mul3A_357 = arith.mulf %gather3A_355, %gather3A_356 : vector<16xf32>
      %add3A_358 = arith.addf %add3A_348, %mul3A_357 : vector<16xf32>
      %mul3A_359 = arith.mulf %gather3A_355, %gather3A_355 : vector<16xf32>
      %add3A_360 = arith.addf %add3A_352, %mul3A_359 : vector<16xf32>
      %mul3A_361 = arith.mulf %gather3A_356, %gather3A_356 : vector<16xf32>
      %add3A_362 = arith.addf %add3A_360, %mul3A_361 : vector<16xf32>
      %broadcast_in_dim3A_363 = arith.constant 6 : i32
      %broadcast_in_dim3A_364 = vector.broadcast %broadcast_in_dim3A_363 : i32 to vector<16xi32>
      %gather3A_365 = tpu.vector_load_idx %arg12[%add3A_301, %broadcast_in_dim3A_364] : memref<512x32xf32, #tpu.memory_space<vmem>>[vector<16xi32>, vector<16xi32>], vector<16xf32>,
      %gather3A_366 = tpu.vector_load_idx %arg13[%add3A_301, %broadcast_in_dim3A_364] : memref<512x32xf32, #tpu.memory_space<vmem>>[vector<16xi32>, vector<16xi32>], vector<16xf32>,
      %mul3A_367 = arith.mulf %gather3A_365, %gather3A_366 : vector<16xf32>
      %add3A_368 = arith.addf %add3A_358, %mul3A_367 : vector<16xf32>
      %mul3A_369 = arith.mulf %gather3A_365, %gather3A_365 : vector<16xf32>
      %add3A_370 = arith.addf %add3A_362, %mul3A_369 : vector<16xf32>
      %mul3A_371 = arith.mulf %gather3A_366, %gather3A_366 : vector<16xf32>
      %add3A_372 = arith.addf %add3A_370, %mul3A_371 : vector<16xf32>
      %broadcast_in_dim3A_373 = arith.constant 7 : i32
      %broadcast_in_dim3A_374 = vector.broadcast %broadcast_in_dim3A_373 : i32 to vector<16xi32>
      %gather3A_375 = tpu.vector_load_idx %arg12[%add3A_301, %broadcast_in_dim3A_374] : memref<512x32xf32, #tpu.memory_space<vmem>>[vector<16xi32>, vector<16xi32>], vector<16xf32>,
      %gather3A_376 = tpu.vector_load_idx %arg13[%add3A_301, %broadcast_in_dim3A_374] : memref<512x32xf32, #tpu.memory_space<vmem>>[vector<16xi32>, vector<16xi32>], vector<16xf32>,
      %mul3A_377 = arith.mulf %gather3A_375, %gather3A_376 : vector<16xf32>
      %add3A_378 = arith.addf %add3A_368, %mul3A_377 : vector<16xf32>
      %mul3A_379 = arith.mulf %gather3A_375, %gather3A_375 : vector<16xf32>
      %add3A_380 = arith.addf %add3A_372, %mul3A_379 : vector<16xf32>
      %mul3A_381 = arith.mulf %gather3A_376, %gather3A_376 : vector<16xf32>
      %add3A_382 = arith.addf %add3A_380, %mul3A_381 : vector<16xf32>
      %broadcast_in_dim3A_383 = arith.constant 8 : i32
      %broadcast_in_dim3A_384 = vector.broadcast %broadcast_in_dim3A_383 : i32 to vector<16xi32>
      %gather3A_385 = tpu.vector_load_idx %arg12[%add3A_301, %broadcast_in_dim3A_384] : memref<512x32xf32, #tpu.memory_space<vmem>>[vector<16xi32>, vector<16xi32>], vector<16xf32>,
      %gather3A_386 = tpu.vector_load_idx %arg13[%add3A_301, %broadcast_in_dim3A_384] : memref<512x32xf32, #tpu.memory_space<vmem>>[vector<16xi32>, vector<16xi32>], vector<16xf32>,
      %mul3A_387 = arith.mulf %gather3A_385, %gather3A_386 : vector<16xf32>
      %add3A_388 = arith.addf %add3A_378, %mul3A_387 : vector<16xf32>
      %mul3A_389 = arith.mulf %gather3A_385, %gather3A_385 : vector<16xf32>
      %add3A_390 = arith.addf %add3A_382, %mul3A_389 : vector<16xf32>
      %mul3A_391 = arith.mulf %gather3A_386, %gather3A_386 : vector<16xf32>
      %add3A_392 = arith.addf %add3A_390, %mul3A_391 : vector<16xf32>
      %broadcast_in_dim3A_393 = arith.constant 9 : i32
      %broadcast_in_dim3A_394 = vector.broadcast %broadcast_in_dim3A_393 : i32 to vector<16xi32>
      %gather3A_395 = tpu.vector_load_idx %arg12[%add3A_301, %broadcast_in_dim3A_394] : memref<512x32xf32, #tpu.memory_space<vmem>>[vector<16xi32>, vector<16xi32>], vector<16xf32>,
      %gather3A_396 = tpu.vector_load_idx %arg13[%add3A_301, %broadcast_in_dim3A_394] : memref<512x32xf32, #tpu.memory_space<vmem>>[vector<16xi32>, vector<16xi32>], vector<16xf32>,
      %mul3A_397 = arith.mulf %gather3A_395, %gather3A_396 : vector<16xf32>
      %add3A_398 = arith.addf %add3A_388, %mul3A_397 : vector<16xf32>
      %mul3A_399 = arith.mulf %gather3A_395, %gather3A_395 : vector<16xf32>
      %add3A_400 = arith.addf %add3A_392, %mul3A_399 : vector<16xf32>
      %mul3A_401 = arith.mulf %gather3A_396, %gather3A_396 : vector<16xf32>
      %add3A_402 = arith.addf %add3A_400, %mul3A_401 : vector<16xf32>
      %broadcast_in_dim3A_403 = arith.constant 10 : i32
      %broadcast_in_dim3A_404 = vector.broadcast %broadcast_in_dim3A_403 : i32 to vector<16xi32>
      %gather3A_405 = tpu.vector_load_idx %arg12[%add3A_301, %broadcast_in_dim3A_404] : memref<512x32xf32, #tpu.memory_space<vmem>>[vector<16xi32>, vector<16xi32>], vector<16xf32>,
      %gather3A_406 = tpu.vector_load_idx %arg13[%add3A_301, %broadcast_in_dim3A_404] : memref<512x32xf32, #tpu.memory_space<vmem>>[vector<16xi32>, vector<16xi32>], vector<16xf32>,
      %mul3A_407 = arith.mulf %gather3A_405, %gather3A_406 : vector<16xf32>
      %add3A_408 = arith.addf %add3A_398, %mul3A_407 : vector<16xf32>
      %mul3A_409 = arith.mulf %gather3A_405, %gather3A_405 : vector<16xf32>
      %add3A_410 = arith.addf %add3A_402, %mul3A_409 : vector<16xf32>
      %mul3A_411 = arith.mulf %gather3A_406, %gather3A_406 : vector<16xf32>
      %add3A_412 = arith.addf %add3A_410, %mul3A_411 : vector<16xf32>
      %broadcast_in_dim3A_413 = arith.constant 11 : i32
      %broadcast_in_dim3A_414 = vector.broadcast %broadcast_in_dim3A_413 : i32 to vector<16xi32>
      %gather3A_415 = tpu.vector_load_idx %arg12[%add3A_301, %broadcast_in_dim3A_414] : memref<512x32xf32, #tpu.memory_space<vmem>>[vector<16xi32>, vector<16xi32>], vector<16xf32>,
      %gather3A_416 = tpu.vector_load_idx %arg13[%add3A_301, %broadcast_in_dim3A_414] : memref<512x32xf32, #tpu.memory_space<vmem>>[vector<16xi32>, vector<16xi32>], vector<16xf32>,
      %mul3A_417 = arith.mulf %gather3A_415, %gather3A_416 : vector<16xf32>
      %add3A_418 = arith.addf %add3A_408, %mul3A_417 : vector<16xf32>
      %mul3A_419 = arith.mulf %gather3A_415, %gather3A_415 : vector<16xf32>
      %add3A_420 = arith.addf %add3A_412, %mul3A_419 : vector<16xf32>
      %mul3A_421 = arith.mulf %gather3A_416, %gather3A_416 : vector<16xf32>
      %add3A_422 = arith.addf %add3A_420, %mul3A_421 : vector<16xf32>
      %broadcast_in_dim3A_423 = arith.constant 12 : i32
      %broadcast_in_dim3A_424 = vector.broadcast %broadcast_in_dim3A_423 : i32 to vector<16xi32>
      %gather3A_425 = tpu.vector_load_idx %arg12[%add3A_301, %broadcast_in_dim3A_424] : memref<512x32xf32, #tpu.memory_space<vmem>>[vector<16xi32>, vector<16xi32>], vector<16xf32>,
      %gather3A_426 = tpu.vector_load_idx %arg13[%add3A_301, %broadcast_in_dim3A_424] : memref<512x32xf32, #tpu.memory_space<vmem>>[vector<16xi32>, vector<16xi32>], vector<16xf32>,
      %mul3A_427 = arith.mulf %gather3A_425, %gather3A_426 : vector<16xf32>
      %add3A_428 = arith.addf %add3A_418, %mul3A_427 : vector<16xf32>
      %mul3A_429 = arith.mulf %gather3A_425, %gather3A_425 : vector<16xf32>
      %add3A_430 = arith.addf %add3A_422, %mul3A_429 : vector<16xf32>
      %mul3A_431 = arith.mulf %gather3A_426, %gather3A_426 : vector<16xf32>
      %add3A_432 = arith.addf %add3A_430, %mul3A_431 : vector<16xf32>
      %broadcast_in_dim3A_433 = arith.constant 13 : i32
      %broadcast_in_dim3A_434 = vector.broadcast %broadcast_in_dim3A_433 : i32 to vector<16xi32>
      %gather3A_435 = tpu.vector_load_idx %arg12[%add3A_301, %broadcast_in_dim3A_434] : memref<512x32xf32, #tpu.memory_space<vmem>>[vector<16xi32>, vector<16xi32>], vector<16xf32>,
      %gather3A_436 = tpu.vector_load_idx %arg13[%add3A_301, %broadcast_in_dim3A_434] : memref<512x32xf32, #tpu.memory_space<vmem>>[vector<16xi32>, vector<16xi32>], vector<16xf32>,
      %mul3A_437 = arith.mulf %gather3A_435, %gather3A_436 : vector<16xf32>
      %add3A_438 = arith.addf %add3A_428, %mul3A_437 : vector<16xf32>
      %mul3A_439 = arith.mulf %gather3A_435, %gather3A_435 : vector<16xf32>
      %add3A_440 = arith.addf %add3A_432, %mul3A_439 : vector<16xf32>
      %mul3A_441 = arith.mulf %gather3A_436, %gather3A_436 : vector<16xf32>
      %add3A_442 = arith.addf %add3A_440, %mul3A_441 : vector<16xf32>
      %broadcast_in_dim3A_443 = arith.constant 14 : i32
      %broadcast_in_dim3A_444 = vector.broadcast %broadcast_in_dim3A_443 : i32 to vector<16xi32>
      %gather3A_445 = tpu.vector_load_idx %arg12[%add3A_301, %broadcast_in_dim3A_444] : memref<512x32xf32, #tpu.memory_space<vmem>>[vector<16xi32>, vector<16xi32>], vector<16xf32>,
      %gather3A_446 = tpu.vector_load_idx %arg13[%add3A_301, %broadcast_in_dim3A_444] : memref<512x32xf32, #tpu.memory_space<vmem>>[vector<16xi32>, vector<16xi32>], vector<16xf32>,
      %mul3A_447 = arith.mulf %gather3A_445, %gather3A_446 : vector<16xf32>
      %add3A_448 = arith.addf %add3A_438, %mul3A_447 : vector<16xf32>
      %mul3A_449 = arith.mulf %gather3A_445, %gather3A_445 : vector<16xf32>
      %add3A_450 = arith.addf %add3A_442, %mul3A_449 : vector<16xf32>
      %mul3A_451 = arith.mulf %gather3A_446, %gather3A_446 : vector<16xf32>
      %add3A_452 = arith.addf %add3A_450, %mul3A_451 : vector<16xf32>
      %broadcast_in_dim3A_453 = arith.constant 15 : i32
      %broadcast_in_dim3A_454 = vector.broadcast %broadcast_in_dim3A_453 : i32 to vector<16xi32>
      %gather3A_455 = tpu.vector_load_idx %arg12[%add3A_301, %broadcast_in_dim3A_454] : memref<512x32xf32, #tpu.memory_space<vmem>>[vector<16xi32>, vector<16xi32>], vector<16xf32>,
      %gather3A_456 = tpu.vector_load_idx %arg13[%add3A_301, %broadcast_in_dim3A_454] : memref<512x32xf32, #tpu.memory_space<vmem>>[vector<16xi32>, vector<16xi32>], vector<16xf32>,
      %mul3A_457 = arith.mulf %gather3A_455, %gather3A_456 : vector<16xf32>
      %add3A_458 = arith.addf %add3A_448, %mul3A_457 : vector<16xf32>
      %mul3A_459 = arith.mulf %gather3A_455, %gather3A_455 : vector<16xf32>
      %add3A_460 = arith.addf %add3A_452, %mul3A_459 : vector<16xf32>
      %mul3A_461 = arith.mulf %gather3A_456, %gather3A_456 : vector<16xf32>
      %add3A_462 = arith.addf %add3A_460, %mul3A_461 : vector<16xf32>
      %broadcast_in_dim3A_463 = arith.constant 16 : i32
      %broadcast_in_dim3A_464 = vector.broadcast %broadcast_in_dim3A_463 : i32 to vector<16xi32>
      %gather3A_465 = tpu.vector_load_idx %arg12[%add3A_301, %broadcast_in_dim3A_464] : memref<512x32xf32, #tpu.memory_space<vmem>>[vector<16xi32>, vector<16xi32>], vector<16xf32>,
      %gather3A_466 = tpu.vector_load_idx %arg13[%add3A_301, %broadcast_in_dim3A_464] : memref<512x32xf32, #tpu.memory_space<vmem>>[vector<16xi32>, vector<16xi32>], vector<16xf32>,
      %mul3A_467 = arith.mulf %gather3A_465, %gather3A_466 : vector<16xf32>
      %add3A_468 = arith.addf %add3A_458, %mul3A_467 : vector<16xf32>
      %mul3A_469 = arith.mulf %gather3A_465, %gather3A_465 : vector<16xf32>
      %add3A_470 = arith.addf %add3A_462, %mul3A_469 : vector<16xf32>
      %mul3A_471 = arith.mulf %gather3A_466, %gather3A_466 : vector<16xf32>
      %add3A_472 = arith.addf %add3A_470, %mul3A_471 : vector<16xf32>
      %broadcast_in_dim3A_473 = arith.constant 17 : i32
      %broadcast_in_dim3A_474 = vector.broadcast %broadcast_in_dim3A_473 : i32 to vector<16xi32>
      %gather3A_475 = tpu.vector_load_idx %arg12[%add3A_301, %broadcast_in_dim3A_474] : memref<512x32xf32, #tpu.memory_space<vmem>>[vector<16xi32>, vector<16xi32>], vector<16xf32>,
      %gather3A_476 = tpu.vector_load_idx %arg13[%add3A_301, %broadcast_in_dim3A_474] : memref<512x32xf32, #tpu.memory_space<vmem>>[vector<16xi32>, vector<16xi32>], vector<16xf32>,
      %mul3A_477 = arith.mulf %gather3A_475, %gather3A_476 : vector<16xf32>
      %add3A_478 = arith.addf %add3A_468, %mul3A_477 : vector<16xf32>
      %mul3A_479 = arith.mulf %gather3A_475, %gather3A_475 : vector<16xf32>
      %add3A_480 = arith.addf %add3A_472, %mul3A_479 : vector<16xf32>
      %mul3A_481 = arith.mulf %gather3A_476, %gather3A_476 : vector<16xf32>
      %add3A_482 = arith.addf %add3A_480, %mul3A_481 : vector<16xf32>
      %broadcast_in_dim3A_483 = arith.constant 18 : i32
      %broadcast_in_dim3A_484 = vector.broadcast %broadcast_in_dim3A_483 : i32 to vector<16xi32>
      %gather3A_485 = tpu.vector_load_idx %arg12[%add3A_301, %broadcast_in_dim3A_484] : memref<512x32xf32, #tpu.memory_space<vmem>>[vector<16xi32>, vector<16xi32>], vector<16xf32>,
      %gather3A_486 = tpu.vector_load_idx %arg13[%add3A_301, %broadcast_in_dim3A_484] : memref<512x32xf32, #tpu.memory_space<vmem>>[vector<16xi32>, vector<16xi32>], vector<16xf32>,
      %mul3A_487 = arith.mulf %gather3A_485, %gather3A_486 : vector<16xf32>
      %add3A_488 = arith.addf %add3A_478, %mul3A_487 : vector<16xf32>
      %mul3A_489 = arith.mulf %gather3A_485, %gather3A_485 : vector<16xf32>
      %add3A_490 = arith.addf %add3A_482, %mul3A_489 : vector<16xf32>
      %mul3A_491 = arith.mulf %gather3A_486, %gather3A_486 : vector<16xf32>
      %add3A_492 = arith.addf %add3A_490, %mul3A_491 : vector<16xf32>
      %broadcast_in_dim3A_493 = arith.constant 19 : i32
      %broadcast_in_dim3A_494 = vector.broadcast %broadcast_in_dim3A_493 : i32 to vector<16xi32>
      %gather3A_495 = tpu.vector_load_idx %arg12[%add3A_301, %broadcast_in_dim3A_494] : memref<512x32xf32, #tpu.memory_space<vmem>>[vector<16xi32>, vector<16xi32>], vector<16xf32>,
      %gather3A_496 = tpu.vector_load_idx %arg13[%add3A_301, %broadcast_in_dim3A_494] : memref<512x32xf32, #tpu.memory_space<vmem>>[vector<16xi32>, vector<16xi32>], vector<16xf32>,
      %mul3A_497 = arith.mulf %gather3A_495, %gather3A_496 : vector<16xf32>
      %add3A_498 = arith.addf %add3A_488, %mul3A_497 : vector<16xf32>
      %mul3A_499 = arith.mulf %gather3A_495, %gather3A_495 : vector<16xf32>
      %add3A_500 = arith.addf %add3A_492, %mul3A_499 : vector<16xf32>
      %mul3A_501 = arith.mulf %gather3A_496, %gather3A_496 : vector<16xf32>
      %add3A_502 = arith.addf %add3A_500, %mul3A_501 : vector<16xf32>
      %broadcast_in_dim3A_503 = arith.constant 20 : i32
      %broadcast_in_dim3A_504 = vector.broadcast %broadcast_in_dim3A_503 : i32 to vector<16xi32>
      %gather3A_505 = tpu.vector_load_idx %arg12[%add3A_301, %broadcast_in_dim3A_504] : memref<512x32xf32, #tpu.memory_space<vmem>>[vector<16xi32>, vector<16xi32>], vector<16xf32>,
      %gather3A_506 = tpu.vector_load_idx %arg13[%add3A_301, %broadcast_in_dim3A_504] : memref<512x32xf32, #tpu.memory_space<vmem>>[vector<16xi32>, vector<16xi32>], vector<16xf32>,
      %mul3A_507 = arith.mulf %gather3A_505, %gather3A_506 : vector<16xf32>
      %add3A_508 = arith.addf %add3A_498, %mul3A_507 : vector<16xf32>
      %mul3A_509 = arith.mulf %gather3A_505, %gather3A_505 : vector<16xf32>
      %add3A_510 = arith.addf %add3A_502, %mul3A_509 : vector<16xf32>
      %mul3A_511 = arith.mulf %gather3A_506, %gather3A_506 : vector<16xf32>
      %add3A_512 = arith.addf %add3A_510, %mul3A_511 : vector<16xf32>
      %broadcast_in_dim3A_513 = arith.constant 21 : i32
      %broadcast_in_dim3A_514 = vector.broadcast %broadcast_in_dim3A_513 : i32 to vector<16xi32>
      %gather3A_515 = tpu.vector_load_idx %arg12[%add3A_301, %broadcast_in_dim3A_514] : memref<512x32xf32, #tpu.memory_space<vmem>>[vector<16xi32>, vector<16xi32>], vector<16xf32>,
      %gather3A_516 = tpu.vector_load_idx %arg13[%add3A_301, %broadcast_in_dim3A_514] : memref<512x32xf32, #tpu.memory_space<vmem>>[vector<16xi32>, vector<16xi32>], vector<16xf32>,
      %mul3A_517 = arith.mulf %gather3A_515, %gather3A_516 : vector<16xf32>
      %add3A_518 = arith.addf %add3A_508, %mul3A_517 : vector<16xf32>
      %mul3A_519 = arith.mulf %gather3A_515, %gather3A_515 : vector<16xf32>
      %add3A_520 = arith.addf %add3A_512, %mul3A_519 : vector<16xf32>
      %mul3A_521 = arith.mulf %gather3A_516, %gather3A_516 : vector<16xf32>
      %add3A_522 = arith.addf %add3A_520, %mul3A_521 : vector<16xf32>
      %broadcast_in_dim3A_523 = arith.constant 22 : i32
      %broadcast_in_dim3A_524 = vector.broadcast %broadcast_in_dim3A_523 : i32 to vector<16xi32>
      %gather3A_525 = tpu.vector_load_idx %arg12[%add3A_301, %broadcast_in_dim3A_524] : memref<512x32xf32, #tpu.memory_space<vmem>>[vector<16xi32>, vector<16xi32>], vector<16xf32>,
      %gather3A_526 = tpu.vector_load_idx %arg13[%add3A_301, %broadcast_in_dim3A_524] : memref<512x32xf32, #tpu.memory_space<vmem>>[vector<16xi32>, vector<16xi32>], vector<16xf32>,
      %mul3A_527 = arith.mulf %gather3A_525, %gather3A_526 : vector<16xf32>
      %add3A_528 = arith.addf %add3A_518, %mul3A_527 : vector<16xf32>
      %mul3A_529 = arith.mulf %gather3A_525, %gather3A_525 : vector<16xf32>
      %add3A_530 = arith.addf %add3A_522, %mul3A_529 : vector<16xf32>
      %mul3A_531 = arith.mulf %gather3A_526, %gather3A_526 : vector<16xf32>
      %add3A_532 = arith.addf %add3A_530, %mul3A_531 : vector<16xf32>
      %broadcast_in_dim3A_533 = arith.constant 23 : i32
      %broadcast_in_dim3A_534 = vector.broadcast %broadcast_in_dim3A_533 : i32 to vector<16xi32>
      %gather3A_535 = tpu.vector_load_idx %arg12[%add3A_301, %broadcast_in_dim3A_534] : memref<512x32xf32, #tpu.memory_space<vmem>>[vector<16xi32>, vector<16xi32>], vector<16xf32>,
      %gather3A_536 = tpu.vector_load_idx %arg13[%add3A_301, %broadcast_in_dim3A_534] : memref<512x32xf32, #tpu.memory_space<vmem>>[vector<16xi32>, vector<16xi32>], vector<16xf32>,
      %mul3A_537 = arith.mulf %gather3A_535, %gather3A_536 : vector<16xf32>
      %add3A_538 = arith.addf %add3A_528, %mul3A_537 : vector<16xf32>
      %mul3A_539 = arith.mulf %gather3A_535, %gather3A_535 : vector<16xf32>
      %add3A_540 = arith.addf %add3A_532, %mul3A_539 : vector<16xf32>
      %mul3A_541 = arith.mulf %gather3A_536, %gather3A_536 : vector<16xf32>
      %add3A_542 = arith.addf %add3A_540, %mul3A_541 : vector<16xf32>
      %broadcast_in_dim3A_543 = arith.constant 24 : i32
      %broadcast_in_dim3A_544 = vector.broadcast %broadcast_in_dim3A_543 : i32 to vector<16xi32>
      %gather3A_545 = tpu.vector_load_idx %arg12[%add3A_301, %broadcast_in_dim3A_544] : memref<512x32xf32, #tpu.memory_space<vmem>>[vector<16xi32>, vector<16xi32>], vector<16xf32>,
      %gather3A_546 = tpu.vector_load_idx %arg13[%add3A_301, %broadcast_in_dim3A_544] : memref<512x32xf32, #tpu.memory_space<vmem>>[vector<16xi32>, vector<16xi32>], vector<16xf32>,
      %mul3A_547 = arith.mulf %gather3A_545, %gather3A_546 : vector<16xf32>
      %add3A_548 = arith.addf %add3A_538, %mul3A_547 : vector<16xf32>
      %mul3A_549 = arith.mulf %gather3A_545, %gather3A_545 : vector<16xf32>
      %add3A_550 = arith.addf %add3A_542, %mul3A_549 : vector<16xf32>
      %mul3A_551 = arith.mulf %gather3A_546, %gather3A_546 : vector<16xf32>
      %add3A_552 = arith.addf %add3A_550, %mul3A_551 : vector<16xf32>
      %broadcast_in_dim3A_553 = arith.constant 25 : i32
      %broadcast_in_dim3A_554 = vector.broadcast %broadcast_in_dim3A_553 : i32 to vector<16xi32>
      %gather3A_555 = tpu.vector_load_idx %arg12[%add3A_301, %broadcast_in_dim3A_554] : memref<512x32xf32, #tpu.memory_space<vmem>>[vector<16xi32>, vector<16xi32>], vector<16xf32>,
      %gather3A_556 = tpu.vector_load_idx %arg13[%add3A_301, %broadcast_in_dim3A_554] : memref<512x32xf32, #tpu.memory_space<vmem>>[vector<16xi32>, vector<16xi32>], vector<16xf32>,
      %mul3A_557 = arith.mulf %gather3A_555, %gather3A_556 : vector<16xf32>
      %add3A_558 = arith.addf %add3A_548, %mul3A_557 : vector<16xf32>
      %mul3A_559 = arith.mulf %gather3A_555, %gather3A_555 : vector<16xf32>
      %add3A_560 = arith.addf %add3A_552, %mul3A_559 : vector<16xf32>
      %mul3A_561 = arith.mulf %gather3A_556, %gather3A_556 : vector<16xf32>
      %add3A_562 = arith.addf %add3A_560, %mul3A_561 : vector<16xf32>
      %broadcast_in_dim3A_563 = arith.constant 26 : i32
      %broadcast_in_dim3A_564 = vector.broadcast %broadcast_in_dim3A_563 : i32 to vector<16xi32>
      %gather3A_565 = tpu.vector_load_idx %arg12[%add3A_301, %broadcast_in_dim3A_564] : memref<512x32xf32, #tpu.memory_space<vmem>>[vector<16xi32>, vector<16xi32>], vector<16xf32>,
      %gather3A_566 = tpu.vector_load_idx %arg13[%add3A_301, %broadcast_in_dim3A_564] : memref<512x32xf32, #tpu.memory_space<vmem>>[vector<16xi32>, vector<16xi32>], vector<16xf32>,
      %mul3A_567 = arith.mulf %gather3A_565, %gather3A_566 : vector<16xf32>
      %add3A_568 = arith.addf %add3A_558, %mul3A_567 : vector<16xf32>
      %mul3A_569 = arith.mulf %gather3A_565, %gather3A_565 : vector<16xf32>
      %add3A_570 = arith.addf %add3A_562, %mul3A_569 : vector<16xf32>
      %mul3A_571 = arith.mulf %gather3A_566, %gather3A_566 : vector<16xf32>
      %add3A_572 = arith.addf %add3A_570, %mul3A_571 : vector<16xf32>
      %broadcast_in_dim3A_573 = arith.constant 27 : i32
      %broadcast_in_dim3A_574 = vector.broadcast %broadcast_in_dim3A_573 : i32 to vector<16xi32>
      %gather3A_575 = tpu.vector_load_idx %arg12[%add3A_301, %broadcast_in_dim3A_574] : memref<512x32xf32, #tpu.memory_space<vmem>>[vector<16xi32>, vector<16xi32>], vector<16xf32>,
      %gather3A_576 = tpu.vector_load_idx %arg13[%add3A_301, %broadcast_in_dim3A_574] : memref<512x32xf32, #tpu.memory_space<vmem>>[vector<16xi32>, vector<16xi32>], vector<16xf32>,
      %mul3A_577 = arith.mulf %gather3A_575, %gather3A_576 : vector<16xf32>
      %add3A_578 = arith.addf %add3A_568, %mul3A_577 : vector<16xf32>
      %mul3A_579 = arith.mulf %gather3A_575, %gather3A_575 : vector<16xf32>
      %add3A_580 = arith.addf %add3A_572, %mul3A_579 : vector<16xf32>
      %mul3A_581 = arith.mulf %gather3A_576, %gather3A_576 : vector<16xf32>
      %add3A_582 = arith.addf %add3A_580, %mul3A_581 : vector<16xf32>
      %broadcast_in_dim3A_583 = arith.constant 28 : i32
      %broadcast_in_dim3A_584 = vector.broadcast %broadcast_in_dim3A_583 : i32 to vector<16xi32>
      %gather3A_585 = tpu.vector_load_idx %arg12[%add3A_301, %broadcast_in_dim3A_584] : memref<512x32xf32, #tpu.memory_space<vmem>>[vector<16xi32>, vector<16xi32>], vector<16xf32>,
      %gather3A_586 = tpu.vector_load_idx %arg13[%add3A_301, %broadcast_in_dim3A_584] : memref<512x32xf32, #tpu.memory_space<vmem>>[vector<16xi32>, vector<16xi32>], vector<16xf32>,
      %mul3A_587 = arith.mulf %gather3A_585, %gather3A_586 : vector<16xf32>
      %add3A_588 = arith.addf %add3A_578, %mul3A_587 : vector<16xf32>
      %mul3A_589 = arith.mulf %gather3A_585, %gather3A_585 : vector<16xf32>
      %add3A_590 = arith.addf %add3A_582, %mul3A_589 : vector<16xf32>
      %mul3A_591 = arith.mulf %gather3A_586, %gather3A_586 : vector<16xf32>
      %add3A_592 = arith.addf %add3A_590, %mul3A_591 : vector<16xf32>
      %broadcast_in_dim3A_593 = arith.constant 29 : i32
      %broadcast_in_dim3A_594 = vector.broadcast %broadcast_in_dim3A_593 : i32 to vector<16xi32>
      %gather3A_595 = tpu.vector_load_idx %arg12[%add3A_301, %broadcast_in_dim3A_594] : memref<512x32xf32, #tpu.memory_space<vmem>>[vector<16xi32>, vector<16xi32>], vector<16xf32>,
      %gather3A_596 = tpu.vector_load_idx %arg13[%add3A_301, %broadcast_in_dim3A_594] : memref<512x32xf32, #tpu.memory_space<vmem>>[vector<16xi32>, vector<16xi32>], vector<16xf32>,
      %mul3A_597 = arith.mulf %gather3A_595, %gather3A_596 : vector<16xf32>
      %add3A_598 = arith.addf %add3A_588, %mul3A_597 : vector<16xf32>
      %mul3A_599 = arith.mulf %gather3A_595, %gather3A_595 : vector<16xf32>
      %add3A_600 = arith.addf %add3A_592, %mul3A_599 : vector<16xf32>
      %mul3A_601 = arith.mulf %gather3A_596, %gather3A_596 : vector<16xf32>
      %add3A_602 = arith.addf %add3A_600, %mul3A_601 : vector<16xf32>
      %broadcast_in_dim3A_603 = arith.constant 30 : i32
      %broadcast_in_dim3A_604 = vector.broadcast %broadcast_in_dim3A_603 : i32 to vector<16xi32>
      %gather3A_605 = tpu.vector_load_idx %arg12[%add3A_301, %broadcast_in_dim3A_604] : memref<512x32xf32, #tpu.memory_space<vmem>>[vector<16xi32>, vector<16xi32>], vector<16xf32>,
      %gather3A_606 = tpu.vector_load_idx %arg13[%add3A_301, %broadcast_in_dim3A_604] : memref<512x32xf32, #tpu.memory_space<vmem>>[vector<16xi32>, vector<16xi32>], vector<16xf32>,
      %mul3A_607 = arith.mulf %gather3A_605, %gather3A_606 : vector<16xf32>
      %add3A_608 = arith.addf %add3A_598, %mul3A_607 : vector<16xf32>
      %mul3A_609 = arith.mulf %gather3A_605, %gather3A_605 : vector<16xf32>
      %add3A_610 = arith.addf %add3A_602, %mul3A_609 : vector<16xf32>
      %mul3A_611 = arith.mulf %gather3A_606, %gather3A_606 : vector<16xf32>
      %add3A_612 = arith.addf %add3A_610, %mul3A_611 : vector<16xf32>
      %broadcast_in_dim3A_613 = arith.constant 31 : i32
      %broadcast_in_dim3A_614 = vector.broadcast %broadcast_in_dim3A_613 : i32 to vector<16xi32>
      %gather3A_615 = tpu.vector_load_idx %arg12[%add3A_301, %broadcast_in_dim3A_614] : memref<512x32xf32, #tpu.memory_space<vmem>>[vector<16xi32>, vector<16xi32>], vector<16xf32>,
      %gather3A_616 = tpu.vector_load_idx %arg13[%add3A_301, %broadcast_in_dim3A_614] : memref<512x32xf32, #tpu.memory_space<vmem>>[vector<16xi32>, vector<16xi32>], vector<16xf32>,
      %mul3A_617 = arith.mulf %gather3A_615, %gather3A_616 : vector<16xf32>
      %add3A_618 = arith.addf %add3A_608, %mul3A_617 : vector<16xf32>
      %mul3A_619 = arith.mulf %gather3A_615, %gather3A_615 : vector<16xf32>
      %add3A_620 = arith.addf %add3A_612, %mul3A_619 : vector<16xf32>
      %mul3A_621 = arith.mulf %gather3A_616, %gather3A_616 : vector<16xf32>
      %add3A_622 = arith.addf %add3A_620, %mul3A_621 : vector<16xf32>
      %gather3A_623 = tpu.vector_load_idx %arg14[%add3A_301] : memref<512xf32, #tpu.memory_space<vmem>>[vector<16xi32>], vector<16xf32>,
      %gather3A_624 = tpu.vector_load_idx %arg15[%add3A_301] : memref<512xf32, #tpu.memory_space<vmem>>[vector<16xi32>], vector<16xf32>,
      %add3A_625 = arith.addf %add3A_618, %gather3A_623 : vector<16xf32>
      %add3A_626 = arith.addf %add3A_625, %gather3A_624 : vector<16xf32>
      %mul3A_627 = arith.constant 16 : i32
      %mul3A_628 = arith.muli %scan3A_296, %mul3A_627 : i32
      %swap3A_629 = arith.index_cast %mul3A_628 : i32 to index
      %swap3A_630 = tpu.vector_load %arg16[%swap3A_629] {strides = array<i32>} : memref<512xf32, #tpu.memory_space<vmem>>, vector<16xf32>,
      tpu.vector_store %arg16[%swap3A_629], %add3A_626 {strides = array<i32>} : memref<512xf32, #tpu.memory_space<vmem>>, vector<16xf32>,
      scf.yield %add3A_622 : vector<16xf32>
    }
    %scan3A_294 = arith.constant 32 : i32
    %swap3A = arith.constant 0 : index
    %swap3A_295 = tpu.vector_load %arg17[%swap3A] {strides = array<i32>} : memref<16xf32, #tpu.memory_space<vmem>>, vector<16xf32>,
    tpu.vector_store %arg17[%swap3A], %scan3A_293 {strides = array<i32>} : memref<16xf32, #tpu.memory_space<vmem>>, vector<16xf32>,
    "tpu.region"() ({
      %run_scoped3A = tpu.sem_alloc : memref<!tpu.dma_semaphore, #tpu.memory_space<semaphore_mem>>
      %dma_start3A_296 = tpu.memref_slice %arg8[%mul3A_2] : memref<16384xf32, #tpu.memory_space<hbm>> -> memref<512xf32, #tpu.memory_space<hbm>>
      %dma_start3A_297 = tpu.memref_slice %arg8[%mul3A_2] : memref<16384xf32, #tpu.memory_space<hbm>> -> memref<512xf32, #tpu.memory_space<hbm>>
      tpu.enqueue_dma source(%arg16 : memref<512xf32, #tpu.memory_space<vmem>>) target(%dma_start3A_297 : memref<512xf32, #tpu.memory_space<hbm>>) target_semaphore(%run_scoped3A : memref<!tpu.dma_semaphore, #tpu.memory_space<semaphore_mem>>)
      %dma_wait3A_298 = tpu.memref_slice %arg8[%mul3A_2] : memref<16384xf32, #tpu.memory_space<hbm>> -> memref<512xf32, #tpu.memory_space<hbm>>
      %dma_wait3A_299 = tpu.memref_slice %arg8[%mul3A_2] : memref<16384xf32, #tpu.memory_space<hbm>> -> memref<512xf32, #tpu.memory_space<hbm>>
      tpu.wait_dma2 semaphore(%run_scoped3A : memref<!tpu.dma_semaphore, #tpu.memory_space<semaphore_mem>>) src(%arg16 : memref<512xf32, #tpu.memory_space<vmem>>) dst(%dma_wait3A_299 : memref<512xf32, #tpu.memory_space<hbm>>)
      tpu.yield
    }) : () -> ()
    "tpu.region"() ({
      %run_scoped3A = tpu.sem_alloc : memref<!tpu.dma_semaphore, #tpu.memory_space<semaphore_mem>>
      %dma_start3A_296 = arith.constant 0 : i32
      %dma_start3A_297 = tpu.memref_slice %arg9[%add3A, %dma_start3A_296] : memref<32x16xf32, #tpu.memory_space<hbm>> -> memref<1x16xf32, #tpu.memory_space<hbm>>
      %dma_start3A_298 = tpu.memref_squeeze %dma_start3A_297 : memref<1x16xf32, #tpu.memory_space<hbm>> -> memref<16xf32, #tpu.memory_space<hbm>>
      %dma_start3A_299 = arith.constant 0 : i32
      %dma_start3A_300 = tpu.memref_slice %arg9[%add3A, %dma_start3A_299] : memref<32x16xf32, #tpu.memory_space<hbm>> -> memref<1x16xf32, #tpu.memory_space<hbm>>
      %dma_start3A_301 = tpu.memref_squeeze %dma_start3A_300 : memref<1x16xf32, #tpu.memory_space<hbm>> -> memref<16xf32, #tpu.memory_space<hbm>>
      tpu.enqueue_dma source(%arg17 : memref<16xf32, #tpu.memory_space<vmem>>) target(%dma_start3A_301 : memref<16xf32, #tpu.memory_space<hbm>>) target_semaphore(%run_scoped3A : memref<!tpu.dma_semaphore, #tpu.memory_space<semaphore_mem>>)
      %dma_wait3A_302 = arith.constant 0 : i32
      %dma_wait3A_303 = tpu.memref_slice %arg9[%add3A, %dma_wait3A_302] : memref<32x16xf32, #tpu.memory_space<hbm>> -> memref<1x16xf32, #tpu.memory_space<hbm>>
      %dma_wait3A_304 = tpu.memref_squeeze %dma_wait3A_303 : memref<1x16xf32, #tpu.memory_space<hbm>> -> memref<16xf32, #tpu.memory_space<hbm>>
      %dma_wait3A_305 = arith.constant 0 : i32
      %dma_wait3A_306 = tpu.memref_slice %arg9[%add3A, %dma_wait3A_305] : memref<32x16xf32, #tpu.memory_space<hbm>> -> memref<1x16xf32, #tpu.memory_space<hbm>>
      %dma_wait3A_307 = tpu.memref_squeeze %dma_wait3A_306 : memref<1x16xf32, #tpu.memory_space<hbm>> -> memref<16xf32, #tpu.memory_space<hbm>>
      tpu.wait_dma2 semaphore(%run_scoped3A : memref<!tpu.dma_semaphore, #tpu.memory_space<semaphore_mem>>) src(%arg17 : memref<16xf32, #tpu.memory_space<vmem>>) dst(%dma_wait3A_307 : memref<16xf32, #tpu.memory_space<hbm>>)
      tpu.yield
    }) : () -> ()
    return
  }
}

module attributes {stable_mosaic.version = 14 : i64} {
  func.func @_tc_body(%arg0: memref<128x128xf32, #tpu.memory_space<vmem>>, %arg1: memref<128x128xf32, #tpu.memory_space<vmem>>, %arg2: memref<4x128xf32, #tpu.memory_space<vmem>>, %arg3: memref<128x128xf32, #tpu.memory_space<vmem>>, %arg4: memref<1x1xf32, #tpu.memory_space<smem>>, %arg5: memref<1x1xf32, #tpu.memory_space<smem>>) attributes {dimension_semantics = [], scalar_prefetch = 0 : i64, scratch_operands = 0 : i64, tpu.core_type = #tpu.core_type<tc>} {
    %get3A = arith.constant 0 : index
    %get3A_0 = arith.constant 0 : index
    %get3A_1 = vector.load %arg0[%get3A, %get3A_0] : memref<128x128xf32, #tpu.memory_space<vmem>>, vector<128x128xf32>
    %logistic3A = arith.negf %get3A_1 : vector<128x128xf32>
    %logistic3A_2 = math.exp %logistic3A : vector<128x128xf32>
    %logistic3A_3 = arith.constant 1.000000e+00 : f32
    %logistic3A_4 = vector.broadcast %logistic3A_3 : f32 to vector<128x128xf32>
    %logistic3A_5 = arith.addf %logistic3A_4, %logistic3A_2 : vector<128x128xf32>
    %logistic3A_6 = arith.divf %logistic3A_4, %logistic3A_5 : vector<128x128xf32>
    %swap3A = arith.constant 0 : index
    %swap3A_7 = arith.constant 0 : index
    %swap3A_8 = vector.load %arg3[%swap3A, %swap3A_7] : memref<128x128xf32, #tpu.memory_space<vmem>>, vector<128x128xf32>
    tpu.vector_store %arg3[%swap3A, %swap3A_7], %logistic3A_6 {strides = array<i32>} : memref<128x128xf32, #tpu.memory_space<vmem>>, vector<128x128xf32>,
    %get3A_9 = arith.constant 0 : index
    %get3A_10 = arith.constant 0 : index
    %get3A_11 = vector.load %arg1[%get3A_9, %get3A_10] : memref<128x128xf32, #tpu.memory_space<vmem>>, vector<128x128xf32>
    %sub3A = arith.subf %logistic3A_6, %get3A_11 : vector<128x128xf32>
    %mul3A = arith.mulf %sub3A, %sub3A : vector<128x128xf32>
    %reduce_sum3A = vector.shape_cast %mul3A : vector<128x128xf32> to vector<1x128x128xf32>
    %reduce_sum3A_12 = arith.constant dense<0.000000e+00> : vector<1xf32>
    %reduce_sum3A_13 = vector.multi_reduction <add>, %reduce_sum3A, %reduce_sum3A_12 [1, 2] : vector<1x128x128xf32> to vector<1xf32>
    %reduce_sum3A_14 = vector.shape_cast %reduce_sum3A_13 : vector<1xf32> to vector<1x1x1xf32>
    %reduce_sum3A_15 = vector.extract %reduce_sum3A_14[0, 0, 0] : f32 from vector<1x1x1xf32>
    %div3A = arith.constant 1.638400e+04 : f32
    %div3A_16 = arith.divf %reduce_sum3A_15, %div3A : f32
    %swap3A_17 = arith.constant 0 : index
    %swap3A_18 = arith.constant 0 : index
    %swap3A_19 = memref.load %arg4[%swap3A_17, %swap3A_18] : memref<1x1xf32, #tpu.memory_space<smem>>
    memref.store %div3A_16, %arg4[%swap3A_17, %swap3A_18] : memref<1x1xf32, #tpu.memory_space<smem>>
    %get3A_20 = arith.constant 0 : index
    %get3A_21 = arith.constant 0 : index
    %get3A_22 = vector.load %arg2[%get3A_20, %get3A_21] : memref<4x128xf32, #tpu.memory_space<vmem>>, vector<4x128xf32>
    %reduce_sum3A_23 = vector.shape_cast %get3A_22 : vector<4x128xf32> to vector<1x4x128xf32>
    %reduce_sum3A_24 = arith.constant dense<0.000000e+00> : vector<1xf32>
    %reduce_sum3A_25 = vector.multi_reduction <add>, %reduce_sum3A_23, %reduce_sum3A_24 [1, 2] : vector<1x4x128xf32> to vector<1xf32>
    %reduce_sum3A_26 = vector.shape_cast %reduce_sum3A_25 : vector<1xf32> to vector<1x1x1xf32>
    %reduce_sum3A_27 = vector.extract %reduce_sum3A_26[0, 0, 0] : f32 from vector<1x1x1xf32>
    %mul3A_28 = arith.constant 5.000000e-01 : f32
    %mul3A_29 = arith.mulf %mul3A_28, %reduce_sum3A_27 : f32
    %div3A_30 = arith.constant 1.638400e+04 : f32
    %div3A_31 = arith.divf %mul3A_29, %div3A_30 : f32
    %swap3A_32 = arith.constant 0 : index
    %swap3A_33 = arith.constant 0 : index
    %swap3A_34 = memref.load %arg5[%swap3A_32, %swap3A_33] : memref<1x1xf32, #tpu.memory_space<smem>>
    memref.store %div3A_31, %arg5[%swap3A_32, %swap3A_33] : memref<1x1xf32, #tpu.memory_space<smem>>
    return
  }
}

</mosaic_0001>

<sc_bundles>
// kernel: kernel.4.cloned.1.call-start
scs
__scs_entry_jumppad:
0x0: {  	(pc) =	sbr.rel $0x88, $3  }
0x1: {  	(tag) =	ssettag $0x0;
	lr =	simm.s32 $0x1  }
0x2: {  	[smem:$0x3F9A] =	sst lr;
	_ =	strace $0xD0000000  }
0x3: {  	_ = 	snop  }
0x4: {  	_ = 	snop  }
0x5: {  	_ = 	snop  }
0x6: {  	_ = 	snop  }
0x7: {  	_ = 	snop  }
__scs_overlays_trampoline_lowered:
0x8: {  	[smem:$0x3FA9] =	sst s0  }
0x9: {  	[smem:$0x3FAA] =	sst s1  }
0xa: {  	[smem:$0x3FAB] =	sst s2  }
0xb: {  	[smem:$0x3FAC] =	sst s3  }
0xc: {  	[smem:$0x3FAD] =	sst s4  }
0xd: {  	[smem:$0x3FAE] =	sst s5  }
0xe: {  	[smem:$0x3FAF] =	sst s6  }
0xf: {  	[smem:$0x3FB0] =	sst s7  }
0x10: {  	[smem:$0x3FB1] =	sst s8  }
0x11: {  	[smem:$0x3FB2] =	sst s9;
	s0 =	simm.s32 @!p0 $0x0  }
0x12: {  	s1 =	sld [smem:$0x3F98];
	s0 =	simm.s32 @p0 $0x1  }
0x13: {  	[smem:$0x3FB3] =	sst s0;
	s0 =	simm.s32 @!p1 $0x0  }
0x14: {  	s2 =	sld [smem:$0x3F97];
	s0 =	simm.s32 @p1 $0x1  }
0x15: {  	[smem:$0x3FB4] =	sst s0;
	s0 =	simm.s32 @!p2 $0x0  }
0x16: {  	s3 =	sld [smem:$0x3FDB];
	s0 =	simm.s32 @p2 $0x1  }
0x17: {  	s4 =	simm.s32 $0x1BF5;
	[smem:$0x3FB6] =	sst s0  }
0x18: {  	s0 =	sld [smem:$0x3F99];
	_ =	swait.ge [sflag:s4], $0x0  }
0x19: {  	s7 =	sld [smem:$0x3F9A]  }
0x1a: {  	s8 =	sadd.s32 $0xFFFFE003, lr  }
0x1b: {  	s9 =	sadd.s32 $0xFFFFFEF7, lr;
	s5 =	simm.s32 $0xFFFFFFFF;
	p2 =	slt.u32 s8, $0xFFFFF086  }
0x1c: {  	p1 =	slt.u32 s9, $0xF7A;
	s5 =	simm.s32 @!p2 $0x0  }
0x1d: {  	s5 =	simm.s32 @p1 $0x1;
	p0 =	seq.s32 s7, s2  }
0x1e: {  	s7 =	smul.u32 @!p0 $0xF7A, s2;
	p2 =	seq.s32 @!p0 s5, $0x0  }
0x1f: {  	s9 =	smul.u32 $0xF7A, s1;
	s8 =	simm.s32 @!p0 $0x1BF5;
	p2 =	por !p2, p0  }
0x20: {  	[sflag:s8] =	ssyncset.s32 @!p0 $0xFFFFF086;
	s6 =	sadd.s32 @!p0 s3, s7;
	s7 =	simm.s32 @!p0 $0x108  }
0x21: {  	s3 =	sadd.s32 s3, s9;
	s6 =	sadd.s32 @!p0 $0x88, s6;
	s7 =	simm.s32 @p2 $0x1082  }
0x22: {  	[simem:s7], [sflag:s8] =	dma.local @!p0 [hbm:s6], $0xF7A  }
0x23: {  	s9 =	sor.u32 $0xD0000000, s2;
	s6 =	simm.s32 $0x108;
	_ =	swait.ge @!p0 [sflag:s8], $0x0  }
0x24: {  	s3 =	sadd.s32 $0x88, s3;
	s6 =	simm.s32 @!p1 $0x1082;
	[sflag:s4] =	ssyncset.s32 $0xFFFFF086  }
0x25: {  	[simem:s6], [sflag:s4] =	dma.local [hbm:s3], $0xF7A  }
0x26: {  	[smem:$0x3F9A] =	sst s1;
	(tag) =	ssettag s2;
	_ =	strace s9  }
0x27: {  	s1 =	sld [smem:$0x3FAA]  }
0x28: {  	s2 =	sld [smem:$0x3FAB]  }
0x29: {  	s4 =	sld [smem:$0x3FAD]  }
0x2a: {  	p0 =	seq.s32 s5, $0x0;
	s5 =	sld [smem:$0x3FAE]  }
0x2b: {  	s6 =	sld [smem:$0x3FAF]  }
0x2c: {  	s7 =	sld [smem:$0x3FB0]  }
0x2d: {  	s3 =	simm.s32 $0x108;
	s8 =	sld [smem:$0x3FB1]  }
0x2e: {  	s3 =	simm.s32 @!p0 $0x1082;
	s9 =	sld [smem:$0x3FB2]  }
0x2f: {  	lr =	sadd.s32 s0, s3;
	s0 =	sld [smem:$0x3FA9]  }
0x30: {  	s3 =	sld [smem:$0x3FAC]  }
0x31: {  	[smem:$0x3FB5] =	sst s10  }
0x32: {  	s10 =	sld [smem:$0x3FB3];
	_ =	sdelay $0x3  }
0x33: {  	p0 =	seq.s32 s10, $0x1;
	s10 =	sld [smem:$0x3FB5];
	_ =	sdelay $0x3  }
0x34: {  	[smem:$0x3FB5] =	sst s10  }
0x35: {  	s10 =	sld [smem:$0x3FB4];
	_ =	sdelay $0x3  }
0x36: {  	p1 =	seq.s32 s10, $0x1;
	s10 =	sld [smem:$0x3FB5];
	_ =	sdelay $0x3  }
0x37: {  	[smem:$0x3FB5] =	sst s10  }
0x38: {  	s10 =	sld [smem:$0x3FB6]  }
0x39: {  	_ = 	snop;
	(pc) =	sbr.ind lr, $3  }
0x3a: {  	_ = 	snop  }
0x3b: {  	_ = 	snop  }
0x3c: {  	p2 =	seq.s32 s10, $0x1;
	s10 =	sld [smem:$0x3FB5]  }
0x3d: {  	_ =	shalt  }
0x3e: {  	_ =	shalt  }
0x3f: {  	_ =	shalt  }
0x40: {  	_ =	shalt  }
0x41: {  	_ =	shalt  }
0x42: {  	_ =	shalt  }
0x43: {  	_ =	shalt  }
0x44: {  	_ =	shalt  }
0x45: {  	_ =	shalt  }
0x46: {  	_ =	shalt  }
0x47: {  	_ =	shalt  }
0x48: {  	_ =	shalt  }
0x49: {  	_ =	shalt  }
0x4a: {  	_ =	shalt  }
0x4b: {  	_ =	shalt  }
0x4c: {  	_ =	shalt  }
0x4d: {  	_ =	shalt  }
0x4e: {  	_ =	shalt  }
0x4f: {  	_ =	shalt  }
0x50: {  	_ =	shalt  }
0x51: {  	_ =	shalt  }
0x52: {  	_ =	shalt  }
0x53: {  	_ =	shalt  }
0x54: {  	_ =	shalt  }
0x55: {  	_ =	shalt  }
0x56: {  	_ =	shalt  }
0x57: {  	_ =	shalt  }
0x58: {  	_ =	shalt  }
0x59: {  	_ =	shalt  }
0x5a: {  	_ =	shalt  }
0x5b: {  	_ =	shalt  }
0x5c: {  	_ =	shalt  }
0x5d: {  	_ =	shalt  }
0x5e: {  	_ =	shalt  }
0x5f: {  	_ =	shalt  }
0x60: {  	_ =	shalt  }
0x61: {  	_ =	shalt  }
0x62: {  	_ =	shalt  }
0x63: {  	_ =	shalt  }
0x64: {  	_ =	shalt  }
0x65: {  	_ =	shalt  }
0x66: {  	_ =	shalt  }
0x67: {  	_ =	shalt  }
0x68: {  	_ =	shalt  }
0x69: {  	_ =	shalt  }
0x6a: {  	_ =	shalt  }
0x6b: {  	_ =	shalt  }
0x6c: {  	_ =	shalt  }
0x6d: {  	_ =	shalt  }
0x6e: {  	_ =	shalt  }
0x6f: {  	_ =	shalt  }
0x70: {  	_ =	shalt  }
0x71: {  	_ =	shalt  }
0x72: {  	_ =	shalt  }
0x73: {  	_ =	shalt  }
0x74: {  	_ =	shalt  }
0x75: {  	_ =	shalt  }
0x76: {  	_ =	shalt  }
0x77: {  	_ =	shalt  }
0x78: {  	_ =	shalt  }
0x79: {  	_ =	shalt  }
0x7a: {  	_ =	shalt  }
0x7b: {  	_ =	shalt  }
0x7c: {  	_ =	shalt  }
0x7d: {  	_ =	shalt  }
0x7e: {  	_ =	shalt  }
0x7f: {  	_ =	shalt  }
0x80: {  	_ =	shalt  }
0x81: {  	_ =	shalt  }
0x82: {  	_ =	shalt  }
0x83: {  	_ =	shalt  }
0x84: {  	_ =	shalt  }
0x85: {  	_ =	shalt  }
0x86: {  	_ =	shalt  }
0x87: {  	_ =	shalt  }
.Lfunc_end0:
.L_simem_size_0:
called_computation_lowered:
.L_overlay_start_0:
0x88: {  	s2 =	sld [smem:$0x3FD9]  }
0x89: {  	s3 =	sld [smem:$0x3FFE];
	_ =	sdelay $0x1  }
0x8a: {  	s1 =	srdreg.scid  }
0x8b: {  	s0 =	sand.u32 $0x1, s1  }
0x8c: {  	s14 =	sshll.u32 s0, $0xA;
	s2 =	sadd.s32 s3, s2  }
0x8d: {  	s2 =	sadd.s32 s2, s14  }
0x8e: {  	[smem:$0x3FC1] =	sst s2  }
0x8f: {  	_ = 	snop  }
0x90: {  	s2 =	sld [smem:$0x3FD0];
	_ =	sdelay $0x1  }
0x91: {  	s15 =	sld [smem:$0x3FC9]  }
0x92: {  	s5 =	simm.s32 $0xA;
	s6 =	simm.s32 $0x10;
	s4 =	sld [smem:$0x3FC8]  }
0x93: {  	[smem:s6], [sflag:s5] =	dma.local [hbm:s2], $0x1  }
0x94: {  	_ =	swait.eq [sflag:s5], $0x1  }
0x95: {  	[sflag:s5] =	ssyncset.done $0x0  }
0x96: {  	[sflag:s5] =	ssyncadd.s32 $0xFFFFFFFF  }
0x97: {  	s16 =	sld [smem:$0x12];
	(tm) =	ssettm $0x1  }
0x98: {  	s17 =	sld [smem:$0x3FFB];
	_ =	sdelay $0x3  }
0x99: {  	_ =	strace s17  }
0x9a: {  	s5 =	sld [smem:$0x3FFC];
	_ =	sdelay $0x3  }
0x9b: {  	_ =	strace s5  }
0x9c: {  	s5 =	sld [smem:$0x3FFD];
	_ =	sdelay $0x3  }
0x9d: {  	_ =	strace s5  }
0x9e: {  	_ =	strace $0x8FFFFFFF  }
0x9f: {  	s18 =	sld [smem:$0x3FDB];
	_ =	sdelay $0x1  }
0xa0: {  	s19 =	simm.s32 $_scs_section_size  }
0xa1: {  	s7 =	simm.s32 $_size__tile_overlayer_lowered;
	s8 =	simm.s32 $_tile_overlayer_lowered  }
0xa2: {  	s22 =	simm.s32 $0x1BFF;
	s21 =	sshll.u32 s8, $0x1;
	s5 =	sadd.s32 s19, s18  }
0xa3: {  	s9 =	simm.s32 $0x0;
	s20 =	sshll.u32 s7, $0x1;
	s7 =	sadd.s32 s21, s5  }
0xa4: {  	[timem:s9], [sflag:s22] =	dma.local [hbm:s7], s20  }
0xa5: {  	_ =	swait.ge [sflag:s22], s20  }
0xa6: {  	s6 =	ssub.s32 $0x0, s20;
	[sflag:s22] =	ssyncset.done $0x0  }
0xa7: {  	[sflag:s22] =	ssyncadd.s32 s6;
	_ =	sdelay $0x1  }
0xa8: {  	s23 =	simm.s32 $0x1B8B  }
0xa9: {  	_ =	swait.ge [sflag:s23], $0x1  }
0xaa: {  	[sflag:s23] =	ssyncset.done $0x0  }
0xab: {  	s25 =	simm.s32 $0x1B8E;
	s24 =	sld [smem:$0x3FFE];
	[sflag:s23] =	ssyncadd.s32 $0xFFFFFFFF  }
0xac: {  	s26 =	simm.s32 $execute0_lowered;
	[smem:$0x3FD2] =	sst s25  }
0xad: {  	s7 =	sshll.u32 s26, $0x1;
	_ =	strace $0x80000046;
	[dreg:$0x1] =	wrdreg $0xFFFFFFFF  }
0xae: {  	s28 =	simm.s32 $_size_execute0_lowered;
	s5 =	sadd.s32 s5, s7;
	[dreg:$0x0] =	wrdreg $0x0  }
0xaf: {  	s7 =	sshll.u32 s28, $0x1;
	[dreg:$0x2] =	wrdreg s5  }
0xb0: {  	[dreg:$0x3] =	wrdreg s7  }
0xb1: {  	[dreg:$0x4] =	wrdreg $0xC0  }
0xb2: {  	_ =	task [dreg:s9], $0x5FFFF  }
0xb3: {  	[dreg:$0x1] =	wrdreg $0xFFFFFFFF  }
0xb4: {  	[dreg:$0x0] =	wrdreg $0x60  }
0xb5: {  	[dreg:$0x2] =	wrdreg s15  }
0xb6: {  	[dreg:$0x3] =	wrdreg s4  }
0xb7: {  	[dreg:$0x4] =	wrdreg s24  }
0xb8: {  	[dreg:$0x5] =	wrdreg s16  }
0xb9: {  	[dreg:$0x6] =	wrdreg $0x9  }
0xba: {  	_ =	task.clear_ibuf [dreg:s9], $0x7FFFF;
	_ =	strace $0x90000046  }
0xbb: {  	s29 =	simm.s32 $0x9;
	_ =	strace $0x80000048  }
0xbc: {  	_ =	swait.ge [sflag:s29], $0x1  }
0xbd: {  	[sflag:s29] =	ssyncadd.s32 $0xFFFFFFFF  }
0xbe: {  	_ =	strace $0x90000048  }
0xbf: {  	_ =	sfence  }
0xc0: {  	s30 =	sld [smem:$0x0];
	_ =	sdelay $0x2  }
0xc1: {  	s31 =	sshll.u32 s1, $0xD;
	s1 =	sshrl.u32 s1, $0x2  }
0xc2: {  	s3 =	sand.u32 $0x4000, s31;
	s1 =	sadd.s32 s1, s30  }
0xc3: {  	s0 =	sor.u32 s3, s0;
	s1 =	sshll.u32 s1, $0x11  }
0xc4: {  	s0 =	sor.u32 s1, s0  }
0xc5: {  	s0 =	sadd.s32 $0x8F2B, s0  }
0xc6: {  	[sflag:s0] =	ssyncadd.remote.s32 $0x1  }
0xc7: {  	_ =	sfence.sel $0xFFFF  }
0xc8: {  	[dreg:$0x0] =	wrdreg $0xFFFFFFFF;
	(pc) =	sbr.abs _section_cstart, $3  }
0xc9: {  	[dreg:$0x1] =	wrdreg $0xFFFFFFFF  }
0xca: {  	_ =	task.clear_ibuf [dreg:s9], $0x2FFFF;
	_ =	strace $0x9FFFFFFF  }
0xcb: {  	(tm) =	ssettm $0x7FFFFFFF  }
tec
execute0_lowered:
.L_overlay_start_1:
0x0: {  	(tag) =	ssettag $0x1  }
0x1: {  	s0 =	rddreg [dreg:$0x0]  }
0x2: {  	s2 =	rddreg [dreg:$0x1]  }
0x3: {  	s7 =	rddreg [dreg:$0x2]  }
0x4: {  	s9 =	rddreg [dreg:$0x3];
	s1 =	simm.s32 $0x0;
	s5 =	srdreg.scid  }
0x5: {  	s8 =	stileid.u32;
	s13 =	simm.s32 $0x200;
	s14 =	simm.s32 $0x80  }
0x6: {  	s15 =	simm.s32 $0x400;
	s16 =	simm.s32 $0x4400;
	s17 =	simm.s32 $0x8400  }
0x7: {  	s18 =	simm.s32 $0x8600;
	s20 =	simm.s32 $0x280;
	s24 =	simm.s32 $0x100  }
0x8: {  	s26 =	simm.s32 $0x300;
	s31 =	simm.s32 $0x180;
	s21 =	simm.s32 $0x8580  }
0x9: {  	s22 =	simm.s32 $0x8780;
	s23 =	simm.s32 $0x1;
	s25 =	simm.s32 $0x8800  }
0xa: {  	s28 =	simm.s32 $0x8A00;
	s29 =	simm.s32 $0x0;
	[smem:$0x7FF] =	sst s1  }
0xb: {  	s3 =	sadd.s32 $0x1313A00, s7;
	s4 =	sadd.s32 $0xF43000, s7;
	s6 =	sand.u32 $0x1, s5  }
0xc: {  	s8 =	sshll.u32 s8, $0x1;
	s5 =	sadd.s32 $0x1F400, s7;
	_ =	strace $0x80000047  }
0xd: {  	s8 =	sor.u32 s6, s8;
	s10 =	ssub.s32 $0x2, s6;
	s6 =	sadd.s32 $0xA00, s7  }
0xe: {  	s11 =	sshll.u32 s8, $0x1;
	s12 =	sshrl.u32 s10, $0x1;
	s30 =	sshll.u32 s8, $0x6  }
0xf: {  	s11 =	sadd.s32 s11, s7;
	s12 =	ssub.s32 s10, s12;
	s7 =	sadd.s32 s0, s30  }
0x10: {  	v0 =	vlaneseq.u32;
	s8 =	sadd.s32 s2, s30;
	s9 =	sadd.s32 s9, s30;
	s2 =	simm.s32 $0x380  }
0x11: {  	v1 =	vor.u32 $0xFFFFFFF8, v0;
	s10 =	sadd.s32 $0x3DE00, s11;
	s11 =	smax.u32 s12, $0x1;
	s12 =	simm.s32 $0x2  }
.LBB2_1:
0x12: {  	[tilespmem:s1], [sflag:$0x2] =	stream.linear.gather [hbm4b:s7+s1], $0x200, $0x38;
	[tilespmem:$0x8A10] =	vst v63  }
0x13: {  	_ =	swait.ge [sflag:s12], $0x200  }
0x14: {  	[sflag:s12] =	ssyncset.done $0x0  }
0x15: {  	[sflag:s12] =	ssyncadd.s32 $0xFFFFFE00  }
0x16: {  	[tilespmem:s13], [sflag:$0x2] =	stream.linear.gather [hbm4b:s8+s1], $0x200, $0x38;
	[tilespmem:$0x8A10] =	vst v63  }
0x17: {  	_ =	swait.ge [sflag:s12], $0x200  }
0x18: {  	[sflag:s12] =	ssyncset.done $0x0  }
0x19: {  	[sflag:s12] =	ssyncadd.s32 $0xFFFFFE00  }
0x1a: {  	[tilespmem:s15], [sflag:$0x1] =	stream.indirect.gather [hbm4b:s3+s14], $0x20, s1, s14, $0xb8;
	[tilespmem:$0x8A10] =	vst v63  }
0x1b: {  	_ = 	snop  }
0x1c: {  	[tilespmem:s16], [sflag:$0x1] =	stream.indirect.gather [hbm4b:s4+s14], $0x20, s13, s14, $0xb8;
	[tilespmem:$0x8A10] =	vst v63  }
0x1d: {  	_ = 	snop  }
0x1e: {  	[tilespmem:s17], [sflag:$0x1] =	stream.indirect.gather [hbm4b:s5+s14], $0x1, s1, s14, $0xb8;
	[tilespmem:$0x8A10] =	vst v63  }
0x1f: {  	_ = 	snop  }
0x20: {  	[tilespmem:s18], [sflag:$0x1] =	stream.indirect.gather [hbm4b:s6+s14], $0x1, s13, s14, $0xb8;
	[tilespmem:$0x8A10] =	vst v63  }
0x21: {  	s0 =	simm.s32 $0x1400  }
0x22: {  	[tilespmem:s0], [sflag:$0x1] =	stream.indirect.gather [hbm4b:s3+s14], $0x20, s14, s14, $0xb8;
	[tilespmem:$0x8A10] =	vst v63  }
0x23: {  	s19 =	simm.s32 $0x5400  }
0x24: {  	[tilespmem:s19], [sflag:$0x1] =	stream.indirect.gather [hbm4b:s4+s14], $0x20, s20, s14, $0xb8;
	[tilespmem:$0x8A10] =	vst v63  }
0x25: {  	s19 =	simm.s32 $0x8480  }
0x26: {  	[tilespmem:s19], [sflag:$0x1] =	stream.indirect.gather [hbm4b:s5+s14], $0x1, s14, s14, $0xb8;
	[tilespmem:$0x8A10] =	vst v63  }
0x27: {  	s19 =	simm.s32 $0x8680  }
0x28: {  	[tilespmem:s19], [sflag:$0x1] =	stream.indirect.gather [hbm4b:s6+s14], $0x1, s20, s14, $0xb8;
	[tilespmem:$0x8A10] =	vst v63  }
0x29: {  	s19 =	simm.s32 $0x2400  }
0x2a: {  	[tilespmem:s19], [sflag:$0x1] =	stream.indirect.gather [hbm4b:s3+s14], $0x20, s24, s14, $0xb8;
	[tilespmem:$0x8A10] =	vst v63  }
0x2b: {  	s19 =	simm.s32 $0x6400  }
0x2c: {  	[tilespmem:s19], [sflag:$0x1] =	stream.indirect.gather [hbm4b:s4+s14], $0x20, s26, s14, $0xb8;
	[tilespmem:$0x8A10] =	vst v63  }
0x2d: {  	s19 =	simm.s32 $0x8500  }
0x2e: {  	[tilespmem:s19], [sflag:$0x1] =	stream.indirect.gather [hbm4b:s5+s14], $0x1, s24, s14, $0xb8;
	[tilespmem:$0x8A10] =	vst v63  }
0x2f: {  	s19 =	simm.s32 $0x8700  }
0x30: {  	[tilespmem:s19], [sflag:$0x1] =	stream.indirect.gather [hbm4b:s6+s14], $0x1, s26, s14, $0xb8;
	[tilespmem:$0x8A10] =	vst v63  }
0x31: {  	s19 =	simm.s32 $0x3400  }
0x32: {  	[tilespmem:s19], [sflag:$0x1] =	stream.indirect.gather [hbm4b:s3+s14], $0x20, s31, s14, $0xb8;
	[tilespmem:$0x8A10] =	vst v63  }
0x33: {  	s19 =	simm.s32 $0x7400  }
0x34: {  	[tilespmem:s19], [sflag:$0x1] =	stream.indirect.gather [hbm4b:s4+s14], $0x20, s2, s14, $0xb8;
	[tilespmem:$0x8A10] =	vst v63  }
0x35: {  	_ = 	snop  }
0x36: {  	[tilespmem:s21], [sflag:$0x1] =	stream.indirect.gather [hbm4b:s5+s14], $0x1, s31, s14, $0xb8;
	[tilespmem:$0x8A10] =	vst v63  }
0x37: {  	_ = 	snop  }
0x38: {  	[tilespmem:s22], [sflag:$0x1] =	stream.indirect.gather [hbm4b:s6+s14], $0x1, s2, s14, $0xb8;
	[tilespmem:$0x8A10] =	vst v63  }
0x39: {  	_ =	swait.ge [sflag:s23], $0x1000  }
0x3a: {  	[sflag:s23] =	ssyncset.done $0x0  }
0x3b: {  	[sflag:s23] =	ssyncadd.s32 $0xFFFFF000  }
0x3c: {  	_ =	swait.ge [sflag:s23], $0x1000  }
0x3d: {  	[sflag:s23] =	ssyncset.done $0x0  }
0x3e: {  	[sflag:s23] =	ssyncadd.s32 $0xFFFFF000  }
0x3f: {  	_ =	swait.ge [sflag:s23], $0x80  }
0x40: {  	[sflag:s23] =	ssyncset.done $0x0  }
0x41: {  	[sflag:s23] =	ssyncadd.s32 $0xFFFFFF80  }
0x42: {  	_ =	swait.ge [sflag:s23], $0x80  }
0x43: {  	[sflag:s23] =	ssyncset.done $0x0  }
0x44: {  	[sflag:s23] =	ssyncadd.s32 $0xFFFFFF80  }
0x45: {  	_ =	swait.ge [sflag:s23], $0x1000  }
0x46: {  	[sflag:s23] =	ssyncset.done $0x0  }
0x47: {  	[sflag:s23] =	ssyncadd.s32 $0xFFFFF000  }
0x48: {  	_ =	swait.ge [sflag:s23], $0x1000  }
0x49: {  	[sflag:s23] =	ssyncset.done $0x0  }
0x4a: {  	[sflag:s23] =	ssyncadd.s32 $0xFFFFF000  }
0x4b: {  	_ =	swait.ge [sflag:s23], $0x80  }
0x4c: {  	[sflag:s23] =	ssyncset.done $0x0  }
0x4d: {  	[sflag:s23] =	ssyncadd.s32 $0xFFFFFF80  }
0x4e: {  	_ =	swait.ge [sflag:s23], $0x80  }
0x4f: {  	[sflag:s23] =	ssyncset.done $0x0  }
0x50: {  	[sflag:s23] =	ssyncadd.s32 $0xFFFFFF80  }
0x51: {  	_ =	swait.ge [sflag:s23], $0x1000  }
0x52: {  	[sflag:s23] =	ssyncset.done $0x0  }
0x53: {  	[sflag:s23] =	ssyncadd.s32 $0xFFFFF000  }
0x54: {  	_ =	swait.ge [sflag:s23], $0x1000  }
0x55: {  	[sflag:s23] =	ssyncset.done $0x0  }
0x56: {  	[sflag:s23] =	ssyncadd.s32 $0xFFFFF000  }
0x57: {  	_ =	swait.ge [sflag:s23], $0x80  }
0x58: {  	[sflag:s23] =	ssyncset.done $0x0  }
0x59: {  	[sflag:s23] =	ssyncadd.s32 $0xFFFFFF80  }
0x5a: {  	_ =	swait.ge [sflag:s23], $0x80  }
0x5b: {  	[sflag:s23] =	ssyncset.done $0x0  }
0x5c: {  	[sflag:s23] =	ssyncadd.s32 $0xFFFFFF80  }
0x5d: {  	_ =	swait.ge [sflag:s23], $0x1000  }
0x5e: {  	[sflag:s23] =	ssyncset.done $0x0  }
0x5f: {  	[sflag:s23] =	ssyncadd.s32 $0xFFFFF000  }
0x60: {  	_ =	swait.ge [sflag:s23], $0x1000  }
0x61: {  	[sflag:s23] =	ssyncset.done $0x0  }
0x62: {  	[sflag:s23] =	ssyncadd.s32 $0xFFFFF000  }
0x63: {  	v2 =	vor.u32 s1, v0;
	_ =	swait.ge [sflag:s23], $0x80  }
0x64: {  	v3 =	vshll.u32 v2, $0x5;
	[sflag:s23] =	ssyncset.done $0x0  }
0x65: {  	[sflag:s23] =	ssyncadd.s32 $0xFFFFFF80  }
0x66: {  	_ =	swait.ge [sflag:s23], $0x80  }
0x67: {  	[sflag:s23] =	ssyncset.done $0x0  }
0x68: {  	v4 =	vor.u32 $0x1, v3;
	[sflag:s23] =	ssyncadd.s32 $0xFFFFFF80  }
0x69: {  	v5 =	vld.idx.msk [tilespmem:v3+s15+$0x0], $0xffff;
	_ =	sdelay $0x1  }
0x6a: {  	v6 =	vld.idx.msk [tilespmem:v3+s16+$0x0], $0xffff  }
0x6b: {  	v7 =	vor.u32 $0x2, v3  }
0x6c: {  	v8 =	vld.idx.msk [tilespmem:v4+s15+$0x0], $0xffff  }
0x6d: {  	v9 =	vmul.f32 v5, v5  }
0x6e: {  	v10 =	vimm.f32 $0.0e+00;
	v4 =	vld.idx.msk [tilespmem:v4+s16+$0x0], $0xffff  }
0x6f: {  	v11 =	vor.u32 $0x3, v3;
	v9 =	vadd.f32 v9, v10;
	v10 =	vmul.f32 v6, v6  }
0x70: {  	v12 =	vld.idx.msk [tilespmem:v7+s15+$0x0], $0xffff  }
0x71: {  	v9 =	vadd.f32 v10, v9;
	v10 =	vmul.f32 v8, v8  }
0x72: {  	v7 =	vld.idx.msk [tilespmem:v7+s16+$0x0], $0xffff  }
0x73: {  	v13 =	vor.u32 $0x4, v3;
	v14 =	vmul.f32 v4, v4;
	v9 =	vadd.f32 v10, v9  }
0x74: {  	v10 =	vld.idx.msk [tilespmem:v11+s15+$0x0], $0xffff  }
0x75: {  	v15 =	vmul.f32 v12, v12;
	v9 =	vadd.f32 v14, v9  }
0x76: {  	v11 =	vld.idx.msk [tilespmem:v11+s16+$0x0], $0xffff  }
0x77: {  	v16 =	vmul.f32 v7, v7;
	v14 =	vor.u32 $0x5, v3;
	v9 =	vadd.f32 v15, v9  }
0x78: {  	v15 =	vld.idx.msk [tilespmem:v13+s15+$0x0], $0xffff  }
0x79: {  	v17 =	vmul.f32 v10, v10;
	v9 =	vadd.f32 v16, v9  }
0x7a: {  	v13 =	vld.idx.msk [tilespmem:v13+s16+$0x0], $0xffff  }
0x7b: {  	v18 =	vmul.f32 v11, v11;
	v16 =	vor.u32 $0x6, v3;
	v9 =	vadd.f32 v17, v9  }
0x7c: {  	v17 =	vld.idx.msk [tilespmem:v14+s15+$0x0], $0xffff  }
0x7d: {  	v19 =	vmul.f32 v15, v15;
	v9 =	vadd.f32 v18, v9  }
0x7e: {  	v14 =	vld.idx.msk [tilespmem:v14+s16+$0x0], $0xffff  }
0x7f: {  	v20 =	vmul.f32 v13, v13;
	v18 =	vor.u32 $0x7, v3;
	v9 =	vadd.f32 v19, v9  }
0x80: {  	v19 =	vld.idx.msk [tilespmem:v16+s15+$0x0], $0xffff  }
0x81: {  	v21 =	vmul.f32 v17, v17;
	v9 =	vadd.f32 v20, v9  }
0x82: {  	v16 =	vld.idx.msk [tilespmem:v16+s16+$0x0], $0xffff  }
0x83: {  	v22 =	vmul.f32 v14, v14;
	v20 =	vor.u32 $0x8, v3;
	v9 =	vadd.f32 v21, v9  }
0x84: {  	v21 =	vld.idx.msk [tilespmem:v18+s15+$0x0], $0xffff  }
0x85: {  	v23 =	vmul.f32 v19, v19;
	v9 =	vadd.f32 v22, v9  }
0x86: {  	v18 =	vld.idx.msk [tilespmem:v18+s16+$0x0], $0xffff  }
0x87: {  	v24 =	vmul.f32 v16, v16;
	v22 =	vor.u32 $0x9, v3;
	v9 =	vadd.f32 v23, v9  }
0x88: {  	v23 =	vld.idx.msk [tilespmem:v20+s15+$0x0], $0xffff  }
0x89: {  	v25 =	vmul.f32 v21, v21;
	v9 =	vadd.f32 v24, v9  }
0x8a: {  	v20 =	vld.idx.msk [tilespmem:v20+s16+$0x0], $0xffff  }
0x8b: {  	v26 =	vmul.f32 v18, v18;
	v24 =	vor.u32 $0xA, v3;
	v9 =	vadd.f32 v25, v9  }
0x8c: {  	v25 =	vld.idx.msk [tilespmem:v22+s15+$0x0], $0xffff  }
0x8d: {  	v27 =	vmul.f32 v23, v23;
	v9 =	vadd.f32 v26, v9  }
0x8e: {  	v22 =	vld.idx.msk [tilespmem:v22+s16+$0x0], $0xffff  }
0x8f: {  	v28 =	vmul.f32 v20, v20;
	v26 =	vor.u32 $0xB, v3;
	v9 =	vadd.f32 v27, v9  }
0x90: {  	v27 =	vld.idx.msk [tilespmem:v24+s15+$0x0], $0xffff  }
0x91: {  	v29 =	vmul.f32 v25, v25;
	v9 =	vadd.f32 v28, v9  }
0x92: {  	v24 =	vld.idx.msk [tilespmem:v24+s16+$0x0], $0xffff  }
0x93: {  	v30 =	vmul.f32 v22, v22;
	v28 =	vor.u32 $0xC, v3;
	v9 =	vadd.f32 v29, v9  }
0x94: {  	v29 =	vld.idx.msk [tilespmem:v26+s15+$0x0], $0xffff  }
0x95: {  	v31 =	vmul.f32 v27, v27;
	v9 =	vadd.f32 v30, v9  }
0x96: {  	v26 =	vld.idx.msk [tilespmem:v26+s16+$0x0], $0xffff  }
0x97: {  	v32 =	vmul.f32 v24, v24;
	v30 =	vor.u32 $0xD, v3;
	v9 =	vadd.f32 v31, v9  }
0x98: {  	v31 =	vld.idx.msk [tilespmem:v28+s15+$0x0], $0xffff  }
0x99: {  	v33 =	vmul.f32 v29, v29;
	v9 =	vadd.f32 v32, v9  }
0x9a: {  	v5 =	vmul.f32 v6, v5;
	v6 =	vld.idx.msk [tilespmem:v28+s16+$0x0], $0xffff  }
0x9b: {  	v28 =	vor.u32 $0xE, v3;
	v62 =	vmul.f32 v26, v26;
	v9 =	vadd.f32 v33, v9  }
0x9c: {  	v4 =	vmul.f32 v4, v8;
	v5 =	vadd.f32 $0.0e+00, v5;
	v8 =	vld.idx.msk [tilespmem:v30+s15+$0x0], $0xffff  }
0x9d: {  	v63 =	vmul.f32 v31, v31;
	v9 =	vadd.f32 v62, v9  }
0x9e: {  	v7 =	vmul.f32 v7, v12;
	v4 =	vadd.f32 v4, v5;
	v5 =	vld.idx.msk [tilespmem:v30+s16+$0x0], $0xffff  }
0x9f: {  	v12 =	vor.u32 $0xF, v3;
	v30 =	vmul.f32 v6, v6;
	v9 =	vadd.f32 v63, v9  }
0xa0: {  	v4 =	vadd.f32 v7, v4;
	v10 =	vmul.f32 v11, v10;
	v7 =	vld.idx.msk [tilespmem:v28+s15+$0x0], $0xffff  }
0xa1: {  	v11 =	vmul.f32 v8, v8;
	v9 =	vadd.f32 v30, v9  }
0xa2: {  	v4 =	vadd.f32 v10, v4;
	v13 =	vmul.f32 v13, v15;
	v10 =	vld.idx.msk [tilespmem:v28+s16+$0x0], $0xffff  }
0xa3: {  	v15 =	vor.u32 $0x10, v3;
	v9 =	vadd.f32 v11, v9;
	v11 =	vmul.f32 v5, v5  }
0xa4: {  	v4 =	vadd.f32 v13, v4;
	v13 =	vld.idx.msk [tilespmem:v12+s15+$0x0], $0xffff;
	v14 =	vmul.f32 v14, v17  }
0xa5: {  	v9 =	vadd.f32 v11, v9;
	v11 =	vmul.f32 v7, v7  }
0xa6: {  	v12 =	vld.idx.msk [tilespmem:v12+s16+$0x0], $0xffff;
	v4 =	vadd.f32 v14, v4;
	v16 =	vmul.f32 v16, v19  }
0xa7: {  	v14 =	vor.u32 $0x11, v3;
	v17 =	vmul.f32 v10, v10;
	v9 =	vadd.f32 v11, v9  }
0xa8: {  	v4 =	vadd.f32 v16, v4;
	v16 =	vld.idx.msk [tilespmem:v15+s15+$0x0], $0xffff;
	v11 =	vmul.f32 v18, v21  }
0xa9: {  	v9 =	vadd.f32 v17, v9;
	v17 =	vmul.f32 v13, v13  }
0xaa: {  	v18 =	vmul.f32 v20, v23;
	v4 =	vadd.f32 v11, v4;
	v11 =	vld.idx.msk [tilespmem:v15+s16+$0x0], $0xffff  }
0xab: {  	v15 =	vor.u32 $0x12, v3;
	v9 =	vadd.f32 v17, v9;
	v17 =	vmul.f32 v12, v12  }
0xac: {  	v19 =	vmul.f32 v22, v25;
	v4 =	vadd.f32 v18, v4;
	v18 =	vld.idx.msk [tilespmem:v14+s15+$0x0], $0xffff  }
0xad: {  	v20 =	vmul.f32 v16, v16;
	v9 =	vadd.f32 v17, v9  }
0xae: {  	v14 =	vld.idx.msk [tilespmem:v14+s16+$0x0], $0xffff;
	v17 =	vmul.f32 v24, v27;
	v4 =	vadd.f32 v19, v4  }
0xaf: {  	v19 =	vor.u32 $0x13, v3;
	v9 =	vadd.f32 v20, v9;
	v20 =	vmul.f32 v11, v11  }
0xb0: {  	v21 =	vmul.f32 v26, v29;
	v22 =	vld.idx.msk [tilespmem:v15+s15+$0x0], $0xffff;
	v4 =	vadd.f32 v17, v4  }
0xb1: {  	v17 =	vmul.f32 v18, v18;
	v9 =	vadd.f32 v20, v9  }
0xb2: {  	v6 =	vmul.f32 v6, v31;
	v15 =	vld.idx.msk [tilespmem:v15+s16+$0x0], $0xffff;
	v4 =	vadd.f32 v21, v4  }
0xb3: {  	v20 =	vor.u32 $0x14, v3;
	v9 =	vadd.f32 v17, v9;
	v17 =	vmul.f32 v14, v14  }
0xb4: {  	v5 =	vmul.f32 v5, v8;
	v4 =	vadd.f32 v6, v4;
	v6 =	vld.idx.msk [tilespmem:v19+s15+$0x0], $0xffff  }
0xb5: {  	v8 =	vadd.f32 v17, v9;
	v9 =	vmul.f32 v22, v22  }
0xb6: {  	v7 =	vmul.f32 v10, v7;
	v4 =	vadd.f32 v5, v4;
	v5 =	vld.idx.msk [tilespmem:v19+s16+$0x0], $0xffff  }
0xb7: {  	v10 =	vor.u32 $0x15, v3;
	v8 =	vadd.f32 v9, v8;
	v9 =	vmul.f32 v15, v15  }
0xb8: {  	v12 =	vmul.f32 v12, v13;
	v4 =	vadd.f32 v7, v4;
	v7 =	vld.idx.msk [tilespmem:v20+s15+$0x0], $0xffff  }
0xb9: {  	v8 =	vadd.f32 v9, v8;
	v9 =	vmul.f32 v6, v6  }
0xba: {  	v11 =	vmul.f32 v11, v16;
	v4 =	vadd.f32 v12, v4;
	v12 =	vld.idx.msk [tilespmem:v20+s16+$0x0], $0xffff  }
0xbb: {  	v13 =	vor.u32 $0x16, v3;
	v8 =	vadd.f32 v9, v8;
	v9 =	vmul.f32 v5, v5  }
0xbc: {  	v4 =	vadd.f32 v11, v4;
	v11 =	vld.idx.msk [tilespmem:v10+s15+$0x0], $0xffff  }
0xbd: {  	v8 =	vadd.f32 v9, v8;
	v9 =	vmul.f32 v7, v7  }
0xbe: {  	v14 =	vmul.f32 v14, v18;
	v10 =	vld.idx.msk [tilespmem:v10+s16+$0x0], $0xffff  }
0xbf: {  	v16 =	vor.u32 $0x17, v3;
	v8 =	vadd.f32 v9, v8;
	v9 =	vmul.f32 v12, v12  }
0xc0: {  	v15 =	vmul.f32 v15, v22;
	v5 =	vmul.f32 v5, v6;
	v6 =	vld.idx.msk [tilespmem:v13+s15+$0x0], $0xffff;
	v4 =	vadd.f32 v14, v4  }
0xc1: {  	v14 =	vor.u32 $0x18, v3;
	v8 =	vadd.f32 v9, v8;
	v9 =	vmul.f32 v11, v11  }
0xc2: {  	v13 =	vld.idx.msk [tilespmem:v13+s16+$0x0], $0xffff;
	v4 =	vadd.f32 v15, v4  }
0xc3: {  	v15 =	vor.u32 $0x19, v3;
	v8 =	vadd.f32 v9, v8;
	v9 =	vmul.f32 v10, v10  }
0xc4: {  	v4 =	vadd.f32 v5, v4;
	v5 =	vmul.f32 v12, v7;
	v12 =	vld.idx.msk [tilespmem:v16+s15+$0x0], $0xffff  }
0xc5: {  	v17 =	vld.idx.msk [tilespmem:v16+s16+$0x0], $0xffff;
	v7 =	vor.u32 $0x1A, v3;
	v8 =	vadd.f32 v9, v8;
	v9 =	vmul.f32 v6, v6  }
0xc6: {  	v16 =	vld.idx.msk [tilespmem:v14+s16+$0x0], $0xffff;
	v4 =	vadd.f32 v5, v4;
	v5 =	vmul.f32 v10, v11  }
0xc7: {  	v10 =	vor.u32 $0x1B, v3;
	v11 =	vld.idx.msk [tilespmem:v14+s15+$0x0], $0xffff;
	v8 =	vadd.f32 v9, v8;
	v9 =	vmul.f32 v13, v13  }
0xc8: {  	v14 =	vld.idx.msk [tilespmem:v15+s16+$0x0], $0xffff;
	v4 =	vadd.f32 v5, v4;
	v5 =	vmul.f32 v13, v6  }
0xc9: {  	v15 =	vld.idx.msk [tilespmem:v15+s15+$0x0], $0xffff;
	v6 =	vor.u32 $0x1C, v3;
	v8 =	vadd.f32 v9, v8;
	v9 =	vmul.f32 v12, v12  }
0xca: {  	v13 =	vld.idx.msk [tilespmem:v7+s16+$0x0], $0xffff;
	v4 =	vadd.f32 v5, v4;
	v5 =	vmul.f32 v17, v12  }
0xcb: {  	v18 =	vor.u32 $0x1D, v3;
	v7 =	vld.idx.msk [tilespmem:v7+s15+$0x0], $0xffff;
	v8 =	vadd.f32 v9, v8;
	v9 =	vmul.f32 v17, v17  }
0xcc: {  	v19 =	vld.idx.msk [tilespmem:v10+s16+$0x0], $0xffff;
	v12 =	vmul.f32 v16, v11;
	v4 =	vadd.f32 v5, v4  }
0xcd: {  	v10 =	vld.idx.msk [tilespmem:v10+s15+$0x0], $0xffff;
	v5 =	vor.u32 $0x1E, v3;
	v8 =	vadd.f32 v9, v8;
	v9 =	vmul.f32 v11, v11  }
0xce: {  	v17 =	vld.idx.msk [tilespmem:v6+s16+$0x0], $0xffff;
	v4 =	vadd.f32 v12, v4;
	v12 =	vmul.f32 v14, v15  }
0xcf: {  	v6 =	vld.idx.msk [tilespmem:v6+s15+$0x0], $0xffff;
	v8 =	vadd.f32 v9, v8;
	v9 =	vmul.f32 v16, v16  }
0xd0: {  	v3 =	vor.u32 $0x1F, v3;
	v11 =	vld.idx.msk [tilespmem:v18+s16+$0x0], $0xffff;
	v4 =	vadd.f32 v12, v4;
	v12 =	vmul.f32 v13, v7  }
0xd1: {  	v18 =	vld.idx.msk [tilespmem:v18+s15+$0x0], $0xffff;
	v8 =	vadd.f32 v9, v8;
	v9 =	vmul.f32 v15, v15  }
0xd2: {  	v16 =	vld.idx.msk [tilespmem:v5+s16+$0x0], $0xffff;
	v4 =	vadd.f32 v12, v4;
	v12 =	vmul.f32 v19, v10  }
0xd3: {  	v5 =	vld.idx.msk [tilespmem:v5+s15+$0x0], $0xffff;
	v8 =	vadd.f32 v9, v8;
	v9 =	vmul.f32 v14, v14  }
0xd4: {  	v4 =	vadd.f32 v12, v4;
	v12 =	vmul.f32 v17, v6  }
0xd5: {  	v2 =	vand.u32 v1, v2;
	v7 =	vmul.f32 v7, v7;
	v15 =	vld.idx.msk [tilespmem:v3+s16+$0x0], $0xffff;
	v8 =	vadd.f32 v9, v8  }
0xd6: {  	v3 =	vld.idx.msk [tilespmem:v3+s15+$0x0], $0xffff;
	v4 =	vadd.f32 v12, v4;
	v12 =	vmul.f32 v11, v18  }
0xd7: {  	v7 =	vadd.f32 v7, v8;
	v8 =	vmul.f32 v13, v13  }
0xd8: {  	v4 =	vadd.f32 v12, v4;
	v9 =	vmul.f32 v16, v5  }
0xd9: {  	v7 =	vadd.f32 v8, v7;
	v8 =	vmul.f32 v10, v10  }
0xda: {  	v12 =	vld.idx.msk [tilespmem:v2+s17+$0x0], $0xffff;
	v4 =	vadd.f32 v9, v4  }
0xdb: {  	v9 =	vmul.f32 v15, v3;
	v7 =	vadd.f32 v8, v7;
	v8 =	vmul.f32 v19, v19  }
0xdc: {  	s19 =	simm.s32 $0x10;
	v6 =	vmul.f32 v6, v6;
	v2 =	vld.idx.msk [tilespmem:v2+s18+$0x0], $0xffff;
	v31 =	vmul.f32 v15, v15  }
0xdd: {  	v15 =	vor.u32 s19, v0;
	v4 =	vadd.f32 v9, v4;
	v7 =	vadd.f32 v8, v7  }
0xde: {  	v5 =	vmul.f32 v5, v5;
	v13 =	vshll.u32 v15, $0x5  }
0xdf: {  	v4 =	vadd.f32 v4, v12;
	v6 =	vadd.f32 v6, v7;
	v7 =	vmul.f32 v17, v17  }
0xe0: {  	v25 =	vor.u32 $0x1, v13;
	v34 =	vor.u32 $0x2, v13;
	v33 =	vor.u32 $0x3, v13  }
0xe1: {  	v2 =	vadd.f32 v4, v2;
	v6 =	vadd.f32 v7, v6;
	v7 =	vmul.f32 v18, v18  }
0xe2: {  	v32 =	vor.u32 $0x4, v13;
	v30 =	vor.u32 $0x6, v13;
	v27 =	vor.u32 $0x7, v13  }
0xe3: {  	v17 =	vmul.f32 v3, v3;
	v3 =	vmul.f32 v11, v11;
	[tilespmem:s25+$0x0] =	vst v2;
	v6 =	vadd.f32 v7, v6  }
0xe4: {  	v26 =	vor.u32 $0x8, v13;
	v22 =	vor.u32 $0x9, v13;
	v20 =	vor.u32 $0xB, v13;
	v23 =	vld.idx.msk [tilespmem:v13+s15+$0x0], $0xffff  }
0xe5: {  	v14 =	vor.u32 $0x18, v13;
	v10 =	vor.u32 $0x15, v13;
	v21 =	vld.idx.msk [tilespmem:v34+s15+$0x0], $0xffff;
	v2 =	vadd.f32 v3, v6  }
0xe6: {  	v9 =	vor.u32 $0x16, v13;
	v19 =	vor.u32 $0xC, v13;
	v12 =	vor.u32 $0x14, v13;
	v24 =	vld.idx.msk [tilespmem:v25+s16+$0x0], $0xffff  }
0xe7: {  	v4 =	vmul.f32 v16, v16;
	v16 =	vor.u32 $0x11, v13;
	v28 =	vld.idx.msk [tilespmem:v25+s15+$0x0], $0xffff;
	v2 =	vadd.f32 v5, v2  }
0xe8: {  	v8 =	vor.u32 $0x17, v13;
	v11 =	vor.u32 $0x13, v13;
	v25 =	vld.idx.msk [tilespmem:v34+s16+$0x0], $0xffff;
	v34 =	vor.u32 $0x5, v13  }
0xe9: {  	v18 =	vor.u32 $0xF, v13;
	v7 =	vor.u32 $0x19, v13;
	v35 =	vadd.f32 v4, v2  }
0xea: {  	v6 =	vor.u32 $0x1A, v13;
	v3 =	vor.u32 $0x1D, v13;
	v5 =	vor.u32 $0x1B, v13  }
0xeb: {  	s30 =	simm.s32 $0x8800;
	s0 =	simm.s32 $0x20;
	v29 =	vld.idx.msk [tilespmem:v13+s16+$0x0], $0xffff;
	v4 =	vor.u32 $0x1C, v13;
	v2 =	vor.u32 $0x1E, v13;
	v35 =	vadd.f32 v17, v35  }
.LBB2_2:
0xec: {  	p0 =	sne.s32 s0, $0x1F0  }
0xed: {  	v36 =	vmul.f32 v23, v23;
	v37 =	vld.idx.msk [tilespmem:v33+s15+$0x0], $0xffff;
	v17 =	vor.u32 $0x1F, v13;
	v15 =	vand.u32 v1, v15;
	s30 =	sadd.s32 $0x10, s30;
	s19 =	smov.u32 s0;
	s0 =	sadd.s32 $0x10, s0  }
0xee: {  	v33 =	vld.idx.msk [tilespmem:v33+s16+$0x0], $0xffff;
	v31 =	vadd.f32 v31, v35  }
0xef: {  	v35 =	vld.idx.msk [tilespmem:v32+s15+$0x0], $0xffff  }
0xf0: {  	v23 =	vmul.f32 v29, v23;
	v29 =	vmul.f32 v29, v29;
	v31 =	vadd.f32 v36, v31;
	v32 =	vld.idx.msk [tilespmem:v32+s16+$0x0], $0xffff  }
0xf1: {  	v36 =	vmul.f32 v24, v28;
	v38 =	vld.idx.msk [tilespmem:v34+s15+$0x0], $0xffff  }
0xf2: {  	v28 =	vmul.f32 v28, v28;
	v29 =	vadd.f32 v29, v31;
	v31 =	vmul.f32 v25, v21;
	v34 =	vld.idx.msk [tilespmem:v34+s16+$0x0], $0xffff  }
0xf3: {  	v24 =	vmul.f32 v24, v24;
	v23 =	vadd.f32 $0.0e+00, v23;
	v39 =	vld.idx.msk [tilespmem:v30+s15+$0x0], $0xffff  }
0xf4: {  	v28 =	vadd.f32 v28, v29;
	v29 =	vmul.f32 v33, v37;
	v30 =	vld.idx.msk [tilespmem:v30+s16+$0x0], $0xffff  }
0xf5: {  	v21 =	vmul.f32 v21, v21;
	v23 =	vadd.f32 v36, v23;
	v36 =	vld.idx.msk [tilespmem:v27+s15+$0x0], $0xffff  }
0xf6: {  	v40 =	vor.u32 $0xA, v13;
	v24 =	vadd.f32 v24, v28;
	v28 =	vmul.f32 v32, v35;
	v27 =	vld.idx.msk [tilespmem:v27+s16+$0x0], $0xffff  }
0xf7: {  	v25 =	vmul.f32 v25, v25;
	v23 =	vadd.f32 v31, v23;
	v31 =	vld.idx.msk [tilespmem:v26+s15+$0x0], $0xffff  }
0xf8: {  	v21 =	vadd.f32 v21, v24;
	v24 =	vmul.f32 v34, v38;
	v26 =	vld.idx.msk [tilespmem:v26+s16+$0x0], $0xffff  }
0xf9: {  	v23 =	vadd.f32 v29, v23;
	v29 =	vmul.f32 v37, v37;
	v37 =	vld.idx.msk [tilespmem:v22+s15+$0x0], $0xffff  }
0xfa: {  	v21 =	vadd.f32 v25, v21;
	v25 =	vmul.f32 v30, v39;
	v22 =	vld.idx.msk [tilespmem:v22+s16+$0x0], $0xffff  }
0xfb: {  	v33 =	vmul.f32 v33, v33;
	v23 =	vadd.f32 v28, v23;
	v28 =	vld.idx.msk [tilespmem:v40+s15+$0x0], $0xffff  }
0xfc: {  	v41 =	vor.u32 $0xE, v13;
	v21 =	vadd.f32 v29, v21;
	v29 =	vmul.f32 v27, v36;
	v40 =	vld.idx.msk [tilespmem:v40+s16+$0x0], $0xffff  }
0xfd: {  	v42 =	vor.u32 $0x10, v13;
	v35 =	vmul.f32 v35, v35;
	v23 =	vadd.f32 v24, v23;
	v24 =	vld.idx.msk [tilespmem:v20+s15+$0x0], $0xffff  }
0xfe: {  	v43 =	vor.u32 $0xD, v13;
	v21 =	vadd.f32 v33, v21;
	v33 =	vmul.f32 v26, v31;
	v20 =	vld.idx.msk [tilespmem:v20+s16+$0x0], $0xffff  }
0xff: {  	v32 =	vmul.f32 v32, v32;
	v23 =	vadd.f32 v25, v23;
	v25 =	vld.idx.msk [tilespmem:v19+s15+$0x0], $0xffff  }
0x100: {  	v13 =	vor.u32 $0x12, v13;
	v21 =	vadd.f32 v35, v21;
	v35 =	vmul.f32 v22, v37;
	v44 =	vld.idx.msk [tilespmem:v19+s16+$0x0], $0xffff  }
0x101: {  	v23 =	vadd.f32 v29, v23;
	v19 =	vmul.f32 v38, v38;
	v29 =	vld.idx.msk [tilespmem:v41+s16+$0x0], $0xffff  }
0x102: {  	v21 =	vadd.f32 v32, v21;
	v32 =	vmul.f32 v40, v28;
	v38 =	vld.idx.msk [tilespmem:v41+s15+$0x0], $0xffff  }
0x103: {  	v34 =	vmul.f32 v34, v34;
	v23 =	vadd.f32 v33, v23;
	v33 =	vld.idx.msk [tilespmem:v43+s15+$0x0], $0xffff  }
0x104: {  	v41 =	vmul.f32 v20, v24;
	v21 =	vadd.f32 v19, v21;
	v43 =	vld.idx.msk [tilespmem:v43+s16+$0x0], $0xffff  }
0x105: {  	v39 =	vmul.f32 v39, v39;
	v23 =	vadd.f32 v35, v23;
	v19 =	vld.idx.msk [tilespmem:v13+s15+$0x0], $0xffff  }
0x106: {  	v21 =	vadd.f32 v34, v21;
	v34 =	vmul.f32 v44, v25;
	v35 =	vld.idx.msk [tilespmem:v18+s16+$0x0], $0xffff  }
0x107: {  	v30 =	vmul.f32 v30, v30;
	v23 =	vadd.f32 v32, v23;
	v32 =	vld.idx.msk [tilespmem:v18+s15+$0x0], $0xffff  }
0x108: {  	v21 =	vadd.f32 v39, v21;
	v18 =	vld.idx.msk [tilespmem:v13+s16+$0x0], $0xffff  }
0x109: {  	v23 =	vadd.f32 v41, v23;
	v13 =	vmul.f32 v36, v36;
	v36 =	vld.idx.msk [tilespmem:v16+s16+$0x0], $0xffff  }
0x10a: {  	v39 =	vmul.f32 v29, v38;
	v21 =	vadd.f32 v30, v21;
	v30 =	vmul.f32 v43, v33;
	v16 =	vld.idx.msk [tilespmem:v16+s15+$0x0], $0xffff  }
0x10b: {  	v27 =	vmul.f32 v27, v27;
	v23 =	vadd.f32 v34, v23;
	v34 =	vld.idx.msk [tilespmem:v42+s16+$0x0], $0xffff  }
0x10c: {  	v13 =	vadd.f32 v13, v21  }
0x10d: {  	v21 =	vmul.f32 v31, v31;
	v23 =	vadd.f32 v30, v23  }
0x10e: {  	v30 =	vmul.f32 v18, v19;
	v13 =	vadd.f32 v27, v13;
	v27 =	vmul.f32 v35, v32  }
0x10f: {  	v26 =	vmul.f32 v26, v26;
	v23 =	vadd.f32 v39, v23  }
0x110: {  	v13 =	vadd.f32 v21, v13;
	v21 =	vmul.f32 v36, v16  }
0x111: {  	v31 =	vmul.f32 v37, v37;
	v23 =	vadd.f32 v27, v23  }
0x112: {  	v13 =	vadd.f32 v26, v13  }
0x113: {  	v22 =	vmul.f32 v22, v22  }
0x114: {  	v13 =	vadd.f32 v31, v13  }
0x115: {  	v26 =	vmul.f32 v28, v28  }
0x116: {  	v13 =	vadd.f32 v22, v13  }
0x117: {  	v22 =	vmul.f32 v40, v40  }
0x118: {  	v26 =	vadd.f32 v26, v13;
	v13 =	vld.idx.msk [tilespmem:v14+s16+$0x0], $0xffff  }
0x119: {  	v24 =	vmul.f32 v24, v24;
	v14 =	vld.idx.msk [tilespmem:v14+s15+$0x0], $0xffff  }
0x11a: {  	v22 =	vadd.f32 v22, v26  }
0x11b: {  	v20 =	vmul.f32 v20, v20  }
0x11c: {  	v22 =	vadd.f32 v24, v22  }
0x11d: {  	v24 =	vmul.f32 v25, v25  }
0x11e: {  	v20 =	vadd.f32 v20, v22  }
0x11f: {  	v22 =	vmul.f32 v44, v44;
	v25 =	vmul.f32 v13, v14  }
0x120: {  	v20 =	vadd.f32 v24, v20  }
0x121: {  	v24 =	vmul.f32 v33, v33  }
0x122: {  	v20 =	vadd.f32 v22, v20;
	_ =	sdelay $0x1  }
0x123: {  	v22 =	vmul.f32 v43, v43;
	v20 =	vadd.f32 v24, v20;
	_ =	sdelay $0x1  }
0x124: {  	v20 =	vadd.f32 v22, v20;
	v22 =	vmul.f32 v38, v38  }
0x125: {  	v24 =	vmul.f32 v29, v29;
	v26 =	vld.idx.msk [tilespmem:v42+s15+$0x0], $0xffff  }
0x126: {  	v20 =	vadd.f32 v22, v20;
	_ =	sdelay $0x1  }
0x127: {  	v22 =	vmul.f32 v32, v32;
	v20 =	vadd.f32 v24, v20;
	_ =	sdelay $0x1  }
0x128: {  	v20 =	vadd.f32 v22, v20;
	v22 =	vmul.f32 v35, v35;
	v24 =	vld.idx.msk [tilespmem:v11+s16+$0x0], $0xffff  }
0x129: {  	v27 =	vmul.f32 v34, v26;
	v26 =	vmul.f32 v26, v26;
	v11 =	vld.idx.msk [tilespmem:v11+s15+$0x0], $0xffff  }
0x12a: {  	v20 =	vadd.f32 v22, v20;
	v22 =	vld.idx.msk [tilespmem:v12+s16+$0x0], $0xffff  }
0x12b: {  	v23 =	vadd.f32 v27, v23;
	v12 =	vld.idx.msk [tilespmem:v12+s15+$0x0], $0xffff  }
0x12c: {  	v20 =	vadd.f32 v26, v20;
	v26 =	vmul.f32 v34, v34;
	v27 =	vld.idx.msk [tilespmem:v10+s16+$0x0], $0xffff  }
0x12d: {  	v21 =	vadd.f32 v21, v23;
	v10 =	vld.idx.msk [tilespmem:v10+s15+$0x0], $0xffff  }
0x12e: {  	v16 =	vmul.f32 v16, v16;
	v20 =	vadd.f32 v26, v20;
	v23 =	vld.idx.msk [tilespmem:v9+s16+$0x0], $0xffff  }
0x12f: {  	v21 =	vadd.f32 v30, v21;
	v26 =	vmul.f32 v24, v11;
	v9 =	vld.idx.msk [tilespmem:v9+s15+$0x0], $0xffff  }
0x130: {  	v16 =	vadd.f32 v16, v20;
	v20 =	vmul.f32 v36, v36;
	v28 =	vld.idx.msk [tilespmem:v8+s16+$0x0], $0xffff  }
0x131: {  	v21 =	vadd.f32 v26, v21;
	v26 =	vmul.f32 v22, v12;
	v8 =	vld.idx.msk [tilespmem:v8+s15+$0x0], $0xffff  }
0x132: {  	v19 =	vmul.f32 v19, v19;
	v16 =	vadd.f32 v20, v16  }
0x133: {  	v20 =	vadd.f32 v26, v21;
	v21 =	vmul.f32 v27, v10  }
0x134: {  	v18 =	vmul.f32 v18, v18;
	v16 =	vadd.f32 v19, v16;
	v19 =	vld.idx.msk [tilespmem:v7+s16+$0x0], $0xffff  }
0x135: {  	v20 =	vadd.f32 v21, v20;
	v21 =	vmul.f32 v23, v9;
	v7 =	vld.idx.msk [tilespmem:v7+s15+$0x0], $0xffff  }
0x136: {  	v11 =	vmul.f32 v11, v11;
	v16 =	vadd.f32 v18, v16;
	v18 =	vld.idx.msk [tilespmem:v6+s16+$0x0], $0xffff  }
0x137: {  	v20 =	vadd.f32 v21, v20;
	v21 =	vmul.f32 v28, v8;
	v6 =	vld.idx.msk [tilespmem:v6+s15+$0x0], $0xffff  }
0x138: {  	v11 =	vadd.f32 v11, v16;
	v16 =	vmul.f32 v24, v24;
	v24 =	vld.idx.msk [tilespmem:v5+s16+$0x0], $0xffff  }
0x139: {  	v20 =	vadd.f32 v21, v20;
	v5 =	vld.idx.msk [tilespmem:v5+s15+$0x0], $0xffff  }
0x13a: {  	v12 =	vmul.f32 v12, v12;
	v11 =	vadd.f32 v16, v11;
	v16 =	vld.idx.msk [tilespmem:v4+s16+$0x0], $0xffff  }
0x13b: {  	v20 =	vadd.f32 v25, v20;
	v21 =	vmul.f32 v19, v7;
	v4 =	vld.idx.msk [tilespmem:v4+s15+$0x0], $0xffff  }
0x13c: {  	v11 =	vadd.f32 v12, v11;
	v12 =	vmul.f32 v22, v22;
	v22 =	vld.idx.msk [tilespmem:v3+s16+$0x0], $0xffff  }
0x13d: {  	v20 =	vadd.f32 v21, v20;
	v21 =	vmul.f32 v18, v6;
	v3 =	vld.idx.msk [tilespmem:v3+s15+$0x0], $0xffff  }
0x13e: {  	v10 =	vmul.f32 v10, v10;
	v11 =	vadd.f32 v12, v11;
	v12 =	vld.idx.msk [tilespmem:v2+s16+$0x0], $0xffff  }
0x13f: {  	v20 =	vadd.f32 v21, v20;
	v21 =	vmul.f32 v24, v5;
	v2 =	vld.idx.msk [tilespmem:v2+s15+$0x0], $0xffff  }
0x140: {  	v10 =	vadd.f32 v10, v11;
	v11 =	vmul.f32 v27, v27;
	v25 =	vld.idx.msk [tilespmem:v17+s16+$0x0], $0xffff  }
0x141: {  	v20 =	vadd.f32 v21, v20;
	v21 =	vmul.f32 v16, v4;
	v17 =	vld.idx.msk [tilespmem:v17+s15+$0x0], $0xffff  }
0x142: {  	v9 =	vmul.f32 v9, v9;
	v10 =	vadd.f32 v11, v10  }
0x143: {  	v11 =	vadd.f32 v21, v20;
	v20 =	vmul.f32 v22, v3  }
0x144: {  	v9 =	vadd.f32 v9, v10;
	v10 =	vmul.f32 v23, v23  }
0x145: {  	v11 =	vadd.f32 v20, v11;
	v20 =	vmul.f32 v12, v2;
	v21 =	vld.idx.msk [tilespmem:v15+s17+$0x0], $0xffff  }
0x146: {  	v8 =	vmul.f32 v8, v8;
	v9 =	vadd.f32 v10, v9  }
0x147: {  	v10 =	vadd.f32 v20, v11;
	v11 =	vmul.f32 v25, v17;
	v15 =	vld.idx.msk [tilespmem:v15+s18+$0x0], $0xffff  }
0x148: {  	v8 =	vadd.f32 v8, v9;
	v9 =	vmul.f32 v28, v28  }
0x149: {  	v10 =	vadd.f32 v11, v10  }
0x14a: {  	v8 =	vadd.f32 v9, v8;
	v9 =	vmul.f32 v14, v14  }
0x14b: {  	v10 =	vadd.f32 v10, v21  }
0x14c: {  	v8 =	vadd.f32 v9, v8;
	v9 =	vmul.f32 v13, v13  }
0x14d: {  	v10 =	vadd.f32 v10, v15  }
0x14e: {  	v7 =	vmul.f32 v7, v7;
	v8 =	vadd.f32 v9, v8  }
0x14f: {  	[tilespmem:s30+$0x0] =	vst v10  }
0x150: {  	v7 =	vadd.f32 v7, v8;
	v8 =	vmul.f32 v19, v19;
	_ =	sdelay $0x1  }
0x151: {  	v6 =	vmul.f32 v6, v6;
	v7 =	vadd.f32 v8, v7;
	_ =	sdelay $0x1  }
0x152: {  	v6 =	vadd.f32 v6, v7;
	v7 =	vmul.f32 v18, v18;
	_ =	sdelay $0x1  }
0x153: {  	v5 =	vmul.f32 v5, v5;
	v6 =	vadd.f32 v7, v6;
	_ =	sdelay $0x1  }
0x154: {  	v5 =	vadd.f32 v5, v6;
	v6 =	vmul.f32 v24, v24;
	_ =	sdelay $0x1  }
0x155: {  	v4 =	vmul.f32 v4, v4;
	v5 =	vadd.f32 v6, v5  }
0x156: {  	v31 =	vmul.f32 v25, v25;
	v28 =	vmul.f32 v12, v12  }
0x157: {  	v17 =	vmul.f32 v17, v17;
	v4 =	vadd.f32 v4, v5;
	v5 =	vmul.f32 v16, v16  }
0x158: {  	v2 =	vmul.f32 v2, v2;
	v15 =	vor.u32 s19, v0;
	v6 =	vmul.f32 v22, v22  }
0x159: {  	v3 =	vmul.f32 v3, v3;
	v13 =	vshll.u32 v15, $0x5;
	v4 =	vadd.f32 v5, v4  }
0x15a: {  	v25 =	vor.u32 $0x2, v13;
	v16 =	vor.u32 $0x11, v13;
	v5 =	vor.u32 $0x1, v13  }
0x15b: {  	v33 =	vor.u32 $0x3, v13;
	v32 =	vor.u32 $0x4, v13;
	v3 =	vadd.f32 v3, v4  }
0x15c: {  	v30 =	vor.u32 $0x6, v13;
	v27 =	vor.u32 $0x7, v13;
	v11 =	vor.u32 $0x13, v13  }
0x15d: {  	v26 =	vor.u32 $0x8, v13;
	v22 =	vor.u32 $0x9, v13;
	v3 =	vadd.f32 v6, v3  }
0x15e: {  	v20 =	vor.u32 $0xB, v13;
	v12 =	vor.u32 $0x14, v13;
	v19 =	vor.u32 $0xC, v13;
	v23 =	vld.idx.msk [tilespmem:v13+s15+$0x0], $0xffff  }
.Ltmp0:
0x15f: {  	v14 =	vor.u32 $0x18, v13;
	v18 =	vor.u32 $0xF, v13;
	v21 =	vld.idx.msk [tilespmem:v25+s15+$0x0], $0xffff;
	v2 =	vadd.f32 v2, v3;
	(pc) =	sbr.rel @p0 .LBB2_2-.Ltmp0, $4  }
0x160: {  	v9 =	vor.u32 $0x16, v13;
	v10 =	vor.u32 $0x15, v13;
	v8 =	vor.u32 $0x17, v13;
	v24 =	vld.idx.msk [tilespmem:v5+s16+$0x0], $0xffff  }
0x161: {  	v7 =	vor.u32 $0x19, v13;
	v6 =	vor.u32 $0x1A, v13;
	v29 =	vld.idx.msk [tilespmem:v13+s16+$0x0], $0xffff;
	v35 =	vadd.f32 v28, v2  }
0x162: {  	v4 =	vor.u32 $0x1C, v13;
	v3 =	vor.u32 $0x1D, v13;
	v28 =	vld.idx.msk [tilespmem:v5+s15+$0x0], $0xffff;
	v5 =	vor.u32 $0x1B, v13  }
0x163: {  	v34 =	vor.u32 $0x5, v13;
	v2 =	vor.u32 $0x1E, v13;
	v25 =	vld.idx.msk [tilespmem:v25+s16+$0x0], $0xffff;
	v35 =	vadd.f32 v17, v35  }
0x164: {  	_ = 	snop  }
0x165: {  	v17 =	vmul.f32 v23, v23;
	v31 =	vadd.f32 v31, v35;
	_ =	sdelay $0x1  }
0x166: {  	v45 =	vmul.f32 v29, v29;
	v17 =	vadd.f32 v17, v31;
	_ =	sdelay $0x1  }
0x167: {  	v46 =	vmul.f32 v28, v28;
	v17 =	vadd.f32 v45, v17;
	_ =	sdelay $0x1  }
0x168: {  	v47 =	vmul.f32 v24, v24;
	v17 =	vadd.f32 v46, v17  }
0x169: {  	v31 =	vld.idx.msk [tilespmem:v33+s15+$0x0], $0xffff  }
0x16a: {  	v36 =	vmul.f32 v21, v21;
	v17 =	vadd.f32 v47, v17  }
0x16b: {  	v33 =	vld.idx.msk [tilespmem:v33+s16+$0x0], $0xffff  }
0x16c: {  	v48 =	vmul.f32 v25, v25;
	v17 =	vadd.f32 v36, v17  }
0x16d: {  	v36 =	vld.idx.msk [tilespmem:v32+s15+$0x0], $0xffff  }
0x16e: {  	v37 =	vmul.f32 v31, v31;
	v17 =	vadd.f32 v48, v17  }
0x16f: {  	v32 =	vld.idx.msk [tilespmem:v32+s16+$0x0], $0xffff  }
0x170: {  	v49 =	vmul.f32 v33, v33;
	v17 =	vadd.f32 v37, v17  }
0x171: {  	v37 =	vld.idx.msk [tilespmem:v34+s15+$0x0], $0xffff  }
0x172: {  	v38 =	vmul.f32 v36, v36;
	v17 =	vadd.f32 v49, v17  }
0x173: {  	v34 =	vld.idx.msk [tilespmem:v34+s16+$0x0], $0xffff  }
0x174: {  	v50 =	vmul.f32 v32, v32;
	v17 =	vadd.f32 v38, v17  }
0x175: {  	v38 =	vld.idx.msk [tilespmem:v30+s15+$0x0], $0xffff  }
0x176: {  	v39 =	vmul.f32 v37, v37;
	v17 =	vadd.f32 v50, v17  }
0x177: {  	v30 =	vld.idx.msk [tilespmem:v30+s16+$0x0], $0xffff  }
0x178: {  	v51 =	vmul.f32 v34, v34;
	v17 =	vadd.f32 v39, v17  }
0x179: {  	v39 =	vld.idx.msk [tilespmem:v27+s15+$0x0], $0xffff  }
0x17a: {  	v40 =	vmul.f32 v38, v38;
	v17 =	vadd.f32 v51, v17  }
0x17b: {  	v27 =	vld.idx.msk [tilespmem:v27+s16+$0x0], $0xffff  }
0x17c: {  	v52 =	vmul.f32 v30, v30;
	v17 =	vadd.f32 v40, v17  }
0x17d: {  	v40 =	vld.idx.msk [tilespmem:v26+s15+$0x0], $0xffff  }
0x17e: {  	v41 =	vmul.f32 v39, v39;
	v17 =	vadd.f32 v52, v17  }
0x17f: {  	v26 =	vld.idx.msk [tilespmem:v26+s16+$0x0], $0xffff  }
0x180: {  	v53 =	vor.u32 $0xA, v13;
	v42 =	vmul.f32 v27, v27;
	v17 =	vadd.f32 v41, v17  }
0x181: {  	v41 =	vld.idx.msk [tilespmem:v22+s15+$0x0], $0xffff  }
0x182: {  	v43 =	vmul.f32 v40, v40;
	v17 =	vadd.f32 v42, v17  }
0x183: {  	v22 =	vld.idx.msk [tilespmem:v22+s16+$0x0], $0xffff  }
0x184: {  	v54 =	vmul.f32 v26, v26;
	v17 =	vadd.f32 v43, v17  }
0x185: {  	v43 =	vld.idx.msk [tilespmem:v53+s15+$0x0], $0xffff  }
0x186: {  	v44 =	vmul.f32 v41, v41;
	v17 =	vadd.f32 v54, v17  }
0x187: {  	v35 =	vld.idx.msk [tilespmem:v53+s16+$0x0], $0xffff  }
0x188: {  	v55 =	vmul.f32 v22, v22;
	v17 =	vadd.f32 v44, v17  }
0x189: {  	v44 =	vld.idx.msk [tilespmem:v20+s15+$0x0], $0xffff  }
0x18a: {  	v45 =	vmul.f32 v43, v43;
	v17 =	vadd.f32 v55, v17  }
0x18b: {  	v20 =	vld.idx.msk [tilespmem:v20+s16+$0x0], $0xffff  }
0x18c: {  	v56 =	vor.u32 $0xD, v13;
	v46 =	vmul.f32 v35, v35;
	v17 =	vadd.f32 v45, v17  }
0x18d: {  	v45 =	vld.idx.msk [tilespmem:v19+s15+$0x0], $0xffff  }
0x18e: {  	v47 =	vmul.f32 v44, v44;
	v17 =	vadd.f32 v46, v17  }
0x18f: {  	v19 =	vld.idx.msk [tilespmem:v19+s16+$0x0], $0xffff  }
0x190: {  	v57 =	vor.u32 $0xE, v13;
	v48 =	vmul.f32 v20, v20;
	v17 =	vadd.f32 v47, v17  }
0x191: {  	v47 =	vld.idx.msk [tilespmem:v56+s15+$0x0], $0xffff  }
0x192: {  	v49 =	vmul.f32 v45, v45;
	v17 =	vadd.f32 v48, v17  }
0x193: {  	v42 =	vld.idx.msk [tilespmem:v56+s16+$0x0], $0xffff  }
0x194: {  	v58 =	vmul.f32 v19, v19;
	v17 =	vadd.f32 v49, v17  }
0x195: {  	v49 =	vld.idx.msk [tilespmem:v57+s15+$0x0], $0xffff  }
0x196: {  	v50 =	vmul.f32 v47, v47;
	v17 =	vadd.f32 v58, v17  }
0x197: {  	v46 =	vld.idx.msk [tilespmem:v57+s16+$0x0], $0xffff  }
0x198: {  	v59 =	vor.u32 $0x10, v13;
	v60 =	vmul.f32 v42, v42;
	v17 =	vadd.f32 v50, v17  }
0x199: {  	v51 =	vld.idx.msk [tilespmem:v18+s15+$0x0], $0xffff  }
0x19a: {  	v61 =	vmul.f32 v49, v49;
	v17 =	vadd.f32 v60, v17  }
0x19b: {  	v18 =	vld.idx.msk [tilespmem:v18+s16+$0x0], $0xffff  }
0x19c: {  	v62 =	vmul.f32 v46, v46;
	v17 =	vadd.f32 v61, v17  }
0x19d: {  	v63 =	vmul.f32 v29, v23;
	v29 =	vld.idx.msk [tilespmem:v59+s15+$0x0], $0xffff  }
0x19e: {  	v52 =	vmul.f32 v51, v51;
	v17 =	vadd.f32 v62, v17  }
0x19f: {  	v23 =	vadd.f32 $0.0e+00, v63;
	v53 =	vmul.f32 v24, v28;
	v28 =	vld.idx.msk [tilespmem:v59+s16+$0x0], $0xffff  }
0x1a0: {  	v54 =	vor.u32 $0x12, v13;
	v55 =	vmul.f32 v18, v18;
	v17 =	vadd.f32 v52, v17  }
0x1a1: {  	v24 =	vld.idx.msk [tilespmem:v16+s15+$0x0], $0xffff;
	v23 =	vadd.f32 v53, v23;
	v56 =	vmul.f32 v25, v21  }
0x1a2: {  	v57 =	vmul.f32 v29, v29;
	v17 =	vadd.f32 v55, v17  }
0x1a3: {  	v31 =	vmul.f32 v33, v31;
	v16 =	vld.idx.msk [tilespmem:v16+s16+$0x0], $0xffff;
	v21 =	vadd.f32 v56, v23  }
0x1a4: {  	v58 =	vmul.f32 v28, v28;
	v17 =	vadd.f32 v57, v17  }
0x1a5: {  	v59 =	vmul.f32 v32, v36;
	v21 =	vadd.f32 v31, v21;
	v31 =	vld.idx.msk [tilespmem:v54+s15+$0x0], $0xffff  }
0x1a6: {  	v60 =	vmul.f32 v24, v24;
	v17 =	vadd.f32 v58, v17  }
0x1a7: {  	v25 =	vld.idx.msk [tilespmem:v54+s16+$0x0], $0xffff;
	v21 =	vadd.f32 v59, v21;
	v61 =	vmul.f32 v34, v37  }
0x1a8: {  	v62 =	vmul.f32 v16, v16;
	v17 =	vadd.f32 v60, v17  }
0x1a9: {  	v30 =	vmul.f32 v30, v38;
	v32 =	vld.idx.msk [tilespmem:v11+s15+$0x0], $0xffff;
	v21 =	vadd.f32 v61, v21  }
0x1aa: {  	v63 =	vmul.f32 v31, v31;
	v17 =	vadd.f32 v62, v17  }
0x1ab: {  	v27 =	vmul.f32 v27, v39;
	v21 =	vadd.f32 v30, v21;
	v30 =	vld.idx.msk [tilespmem:v11+s16+$0x0], $0xffff  }
0x1ac: {  	v33 =	vmul.f32 v25, v25;
	v17 =	vadd.f32 v63, v17  }
0x1ad: {  	v26 =	vmul.f32 v26, v40;
	v34 =	vld.idx.msk [tilespmem:v12+s15+$0x0], $0xffff;
	v21 =	vadd.f32 v27, v21  }
0x1ae: {  	v36 =	vmul.f32 v32, v32;
	v17 =	vadd.f32 v33, v17  }
0x1af: {  	v22 =	vmul.f32 v22, v41;
	v37 =	vld.idx.msk [tilespmem:v12+s16+$0x0], $0xffff;
	v21 =	vadd.f32 v26, v21  }
0x1b0: {  	v38 =	vmul.f32 v30, v30;
	v17 =	vadd.f32 v36, v17  }
0x1b1: {  	v40 =	vld.idx.msk [tilespmem:v10+s15+$0x0], $0xffff;
	v39 =	vmul.f32 v35, v43;
	v21 =	vadd.f32 v22, v21  }
0x1b2: {  	v41 =	vmul.f32 v34, v34;
	v17 =	vadd.f32 v38, v17  }
0x1b3: {  	v43 =	vld.idx.msk [tilespmem:v10+s16+$0x0], $0xffff;
	v20 =	vmul.f32 v20, v44;
	v21 =	vadd.f32 v39, v21  }
0x1b4: {  	v44 =	vmul.f32 v37, v37;
	v17 =	vadd.f32 v41, v17  }
0x1b5: {  	v19 =	vmul.f32 v19, v45;
	v48 =	vld.idx.msk [tilespmem:v9+s15+$0x0], $0xffff;
	v20 =	vadd.f32 v20, v21  }
0x1b6: {  	v50 =	vmul.f32 v40, v40;
	v17 =	vadd.f32 v44, v17  }
0x1b7: {  	v53 =	vld.idx.msk [tilespmem:v9+s16+$0x0], $0xffff;
	v52 =	vmul.f32 v42, v47;
	v19 =	vadd.f32 v19, v20  }
0x1b8: {  	v54 =	vmul.f32 v43, v43;
	v17 =	vadd.f32 v50, v17  }
0x1b9: {  	v56 =	vld.idx.msk [tilespmem:v8+s15+$0x0], $0xffff;
	v55 =	vmul.f32 v46, v49;
	v19 =	vadd.f32 v52, v19  }
0x1ba: {  	v57 =	vmul.f32 v48, v48;
	v17 =	vadd.f32 v54, v17  }
0x1bb: {  	v18 =	vmul.f32 v18, v51;
	v58 =	vld.idx.msk [tilespmem:v8+s16+$0x0], $0xffff;
	v19 =	vadd.f32 v55, v19  }
0x1bc: {  	v59 =	vmul.f32 v53, v53;
	v17 =	vadd.f32 v57, v17  }
0x1bd: {  	v61 =	vmul.f32 v28, v29;
	v60 =	vld.idx.msk [tilespmem:v14+s15+$0x0], $0xffff;
	v18 =	vadd.f32 v18, v19  }
0x1be: {  	v62 =	vmul.f32 v56, v56;
	v17 =	vadd.f32 v59, v17  }
0x1bf: {  	v16 =	vmul.f32 v16, v24;
	v63 =	vld.idx.msk [tilespmem:v14+s16+$0x0], $0xffff;
	v18 =	vadd.f32 v61, v18  }
0x1c0: {  	v24 =	vmul.f32 v58, v58;
	v17 =	vadd.f32 v62, v17  }
0x1c1: {  	v25 =	vmul.f32 v25, v31;
	v28 =	vld.idx.msk [tilespmem:v7+s15+$0x0], $0xffff;
	v16 =	vadd.f32 v16, v18  }
0x1c2: {  	v29 =	vmul.f32 v60, v60;
	v17 =	vadd.f32 v24, v17  }
0x1c3: {  	v11 =	vmul.f32 v30, v32;
	v30 =	vld.idx.msk [tilespmem:v7+s16+$0x0], $0xffff;
	v16 =	vadd.f32 v25, v16  }
0x1c4: {  	v31 =	vmul.f32 v63, v63;
	v17 =	vadd.f32 v29, v17  }
0x1c5: {  	v12 =	vmul.f32 v37, v34;
	v32 =	vld.idx.msk [tilespmem:v6+s15+$0x0], $0xffff;
	v11 =	vadd.f32 v11, v16  }
0x1c6: {  	v33 =	vmul.f32 v28, v28;
	v17 =	vadd.f32 v31, v17  }
0x1c7: {  	v10 =	vmul.f32 v43, v40;
	v34 =	vld.idx.msk [tilespmem:v6+s16+$0x0], $0xffff;
	v11 =	vadd.f32 v12, v11  }
0x1c8: {  	v36 =	vmul.f32 v30, v30;
	v35 =	vadd.f32 v33, v17  }
0x1c9: {  	v9 =	vmul.f32 v53, v48;
	v37 =	vld.idx.msk [tilespmem:v5+s15+$0x0], $0xffff;
	v10 =	vadd.f32 v10, v11  }
0x1ca: {  	v38 =	vmul.f32 v32, v32;
	v12 =	vadd.f32 v36, v35  }
0x1cb: {  	v39 =	vld.idx.msk [tilespmem:v5+s16+$0x0], $0xffff;
	v8 =	vmul.f32 v58, v56;
	v9 =	vadd.f32 v9, v10  }
0x1cc: {  	v41 =	vmul.f32 v34, v34;
	v40 =	vadd.f32 v38, v12  }
0x1cd: {  	v42 =	vld.idx.msk [tilespmem:v4+s15+$0x0], $0xffff;
	v14 =	vmul.f32 v63, v60;
	v8 =	vadd.f32 v8, v9  }
0x1ce: {  	v43 =	vmul.f32 v37, v37;
	v10 =	vadd.f32 v41, v40  }
0x1cf: {  	v7 =	vmul.f32 v30, v28;
	v44 =	vld.idx.msk [tilespmem:v4+s16+$0x0], $0xffff;
	v8 =	vadd.f32 v14, v8  }
0x1d0: {  	v45 =	vor.u32 $0x1F, v13;
	v46 =	vmul.f32 v39, v39;
	v10 =	vadd.f32 v43, v10  }
0x1d1: {  	v47 =	vld.idx.msk [tilespmem:v3+s15+$0x0], $0xffff;
	v6 =	vmul.f32 v34, v32;
	v7 =	vadd.f32 v7, v8  }
0x1d2: {  	v3 =	vld.idx.msk [tilespmem:v3+s16+$0x0], $0xffff;
	v48 =	vmul.f32 v42, v42;
	v10 =	vadd.f32 v46, v10  }
0x1d3: {  	v49 =	vld.idx.msk [tilespmem:v2+s16+$0x0], $0xffff;
	v5 =	vmul.f32 v39, v37;
	v6 =	vadd.f32 v6, v7  }
0x1d4: {  	v2 =	vld.idx.msk [tilespmem:v2+s15+$0x0], $0xffff;
	v51 =	vmul.f32 v44, v44;
	v50 =	vadd.f32 v48, v10  }
0x1d5: {  	v53 =	vld.idx.msk [tilespmem:v45+s16+$0x0], $0xffff;
	v52 =	vand.u32 v1, v15;
	v4 =	vmul.f32 v44, v42;
	v5 =	vadd.f32 v5, v6  }
0x1d6: {  	v55 =	vmul.f32 v47, v47;
	v54 =	vld.idx.msk [tilespmem:v45+s15+$0x0], $0xffff;
	v7 =	vadd.f32 v51, v50  }
0x1d7: {  	v56 =	vmul.f32 v3, v47;
	v4 =	vadd.f32 v4, v5  }
0x1d8: {  	v3 =	vmul.f32 v3, v3;
	v7 =	vadd.f32 v55, v7  }
0x1d9: {  	v57 =	vmul.f32 v49, v2;
	v4 =	vadd.f32 v56, v4  }
0x1da: {  	v58 =	vld.idx.msk [tilespmem:v52+s17+$0x0], $0xffff;
	v2 =	vmul.f32 v2, v2;
	v3 =	vadd.f32 v3, v7  }
0x1db: {  	v59 =	vmul.f32 v53, v54;
	v4 =	vadd.f32 v57, v4  }
0x1dc: {  	v60 =	vld.idx.msk [tilespmem:v52+s18+$0x0], $0xffff;
	v61 =	vmul.f32 v49, v49;
	v2 =	vadd.f32 v2, v3  }
0x1dd: {  	v3 =	vadd.f32 v59, v4  }
0x1de: {  	v62 =	vmul.f32 v54, v54;
	v2 =	vadd.f32 v61, v2  }
0x1df: {  	v3 =	vadd.f32 v3, v58  }
0x1e0: {  	v63 =	vmul.f32 v53, v53;
	v2 =	vadd.f32 v62, v2  }
0x1e1: {  	v3 =	vadd.f32 v3, v60  }
0x1e2: {  	s0 =	sadd.s32 $0x10, s30;
	v2 =	vadd.f32 v63, v2  }
0x1e3: {  	[tilespmem:s0+$0x0] =	vst v3  }
0x1e4: {  	[tilespmem:$0x8A00] =	vst v2  }
0x1e5: {  	[hbm4b:s9+s1] =	stream.linear.scatter [tilespmem:s25], [sflag:$0x2], $0x200, $0x38;
	[tilespmem:$0x8A10] =	vst v63  }
0x1e6: {  	s29 =	sadd.s32 $0x1, s29;
	_ =	swait.ge [sflag:s12], $0x200  }
0x1e7: {  	p0 =	sne.s32 s29, s11;
	[sflag:s12] =	ssyncset.done $0x0  }
.Ltmp1:
0x1e8: {  	[sflag:s12] =	ssyncadd.s32 $0xFFFFFE00;
	(pc) =	sbr.rel @p0 .LBB2_1-.Ltmp1, $4  }
0x1e9: {  	[hbm4b:s10+s1] =	stream.linear.scatter [tilespmem:s28], [sflag:$0x2], $0x10, $0x38;
	[tilespmem:$0x8A10] =	vst v63  }
0x1ea: {  	_ =	swait.ge [sflag:s12], $0x10  }
0x1eb: {  	[sflag:s12] =	ssyncset.done $0x0  }
0x1ec: {  	[sflag:s12] =	ssyncadd.s32 $0xFFFFFFF0  }
0x1ed: {  	_ =	sfence.sel $0x180000  }
0x1ee: {  	[bflag:$0x0] =	sbarrier.arrive $0xFFFF  }
0x1ef: {  	_ =	strace $0x90000047  }
0x1f0: {  	s0 =	stileid.u32;
	[bflag:$0x2] =	sbarrier.arrive $0xFFFF  }
0x1f1: {  	p0 =	sne.s32 s0, $0x0;
	s0 =	rddreg [dreg:$0x4]  }
0x1f2: {  	s0 =	sadd.s32 @!p0 $0x100000, s0  }
0x1f3: {  	[sflag:s0] =	ssyncadd.tile.s32 @!p0 $0x1;
	_ =	shalt  }
.Lfunc_end2:
_tile_overlayer_lowered:
.L_overlay_start_2:
0x1f4: {  	(tag) =	ssettag $0x2  }
0x1f5: {  	s0 =	rddreg [dreg:$0x0];
	s2 =	stileid.u32  }
0x1f6: {  	s1 =	rddreg [dreg:$0x1];
	p0 =	sne.s32 s2, $0x0  }
0x1f7: {  	s3 =	rddreg [dreg:$0x2];
	[bflag:$0x3] =	sbarrier.arrive $0xFFFF;
	s2 =	simm.s32 @!p0 $0x1C02  }
0x1f8: {  	[timem:s3], [sflag:s2] =	dma.local @!p0 [hbm:s0], s1  }
0x1f9: {  	s0 =	simm.s32 @!p0 $0x2  }
0x1fa: {  	_ =	swait.ge @!p0 [sflag:s0], s1  }
0x1fb: {  	s1 =	ssub.s32 @!p0 $0x0, s1;
	[sflag:s0] =	ssyncset.done @!p0 $0x0  }
0x1fc: {  	[sflag:s0] =	ssyncadd.s32 @!p0 s1  }
0x1fd: {  	[bflag:$0x3] =	sbarrier.arrive $0xFFFF  }
0x1fe: {  	_ =	shalt  }

</sc_bundles>
